<compile_context>
chip_gen: v7x
topology: tpu7x:2x2x1
jax: 0.10.2.dev20260603
libtpu: 0.0.44.dev20260713+nightly
codegen_flags: <defaults>
</compile_context>

<pallas_src>
import functools

import jax
import jax.numpy as jnp
from jax import lax
from jax.experimental import pallas as pl
from jax.experimental.pallas import tpu as pltpu
from jax.experimental.pallas import tpu_sc as plsc

N = 100000
D = 128
DD = 16
NW = 32
NPAD = 100352
CPW = NPAD // NW
SUB = 112
NSUB = CPW // SUB
NROW = NPAD // 8
BLKR = 392
NBR = NROW // BLKR
PBLK = 8 * BLKR
FBW = 2
BLKF = FBW * BLKR
NBF = NROW // BLKF


_SC_PARAMS = pltpu.CompilerParams(use_tc_tiling_on_sc=False)


def _proj_body(z_ref, w_ref, b_ref, p0, p1, p2, p3):
    w2 = w_ref[...]
    zz = z_ref[...]
    rows = jax.lax.broadcasted_iota(jnp.int32, (PBLK, 1), 0)
    zz = jnp.where(rows < N - PBLK * pl.program_id(0), zz, 0.0)
    accs = []
    for j in range(4):
        z2 = jnp.concatenate(
            [zz[2 * j * BLKR:(2 * j + 1) * BLKR, :],
             zz[(2 * j + 1) * BLKR:(2 * j + 2) * BLKR, :]], axis=1)
        acc2 = jnp.dot(z2, w2, preferred_element_type=jnp.float32)
        accs.append(acc2[:, 0:64])
        accs.append(acc2[:, 64:128])
    p0[...] = jnp.concatenate([a[:, 0:16] for a in accs], axis=1) + b_ref[...]
    p1[...] = jnp.concatenate([a[:, 16:32] for a in accs], axis=1)
    p2[...] = jnp.concatenate([a[:, 32:48] for a in accs], axis=1)
    p3[...] = jnp.concatenate([a[:, 48:64] for a in accs], axis=1)


def _project(z, wstack, b128):
    out = jax.ShapeDtypeStruct((NROW, D), jnp.float32)
    return pl.pallas_call(
        _proj_body,
        grid=(NBR,),
        in_specs=[
            pl.BlockSpec((PBLK, D), lambda r: (r, 0)),
            pl.BlockSpec((2 * D, D), lambda r: (0, 0)),
            pl.BlockSpec((1, D), lambda r: (0, 0)),
        ],
        out_specs=[pl.BlockSpec((BLKR, D), lambda r: (r, 0))] * 4,
        out_shape=[out] * 4,
    )(z, wstack, b128)


def _final_body(z_ref, f1_ref, h1_ref, h2_ref, h3_ref, k0_ref, k1_ref,
                k2_ref, k3_ref, out_ref):
    f1 = f1_ref[...]
    s = (2.0 * f1
         + jnp.dot(f1, k0_ref[...], preferred_element_type=jnp.float32)
         + jnp.dot(h1_ref[...], k1_ref[...], preferred_element_type=jnp.float32)
         + jnp.dot(h2_ref[...], k2_ref[...], preferred_element_type=jnp.float32)
         + jnp.dot(h3_ref[...], k3_ref[...], preferred_element_type=jnp.float32))
    zz = z_ref[...]
    pieces = []
    for blk in range(FBW):
        for g in range(8):
            zrows = zz[blk * PBLK + g * BLKR:blk * PBLK + (g + 1) * BLKR, :]
            s16 = s[blk * BLKR:(blk + 1) * BLKR, g * DD:(g + 1) * DD]
            pieces.append(
                jnp.concatenate([zrows[:, :DD] + s16, zrows[:, DD:]], axis=1))
    out_ref[...] = jnp.concatenate(pieces, axis=0)


def _final(z, f1, h1, h2, h3, kmats):
    fb = pl.BlockSpec((BLKF, D), lambda r: (r, 0))
    zb = pl.BlockSpec((FBW * PBLK, D), lambda r: (r, 0))
    kb = pl.BlockSpec((D, D), lambda r: (0, 0))
    return pl.pallas_call(
        _final_body,
        grid=(NBF,),
        in_specs=[zb, fb, fb, fb, fb, kb, kb, kb, kb],
        out_specs=zb,
        out_shape=jax.ShapeDtypeStruct((N, D), jnp.float32),
    )(z, f1, h1, h2, h3, *kmats)


def _gather_sum(p0, p1, p2, p3, nl3):
    mesh = plsc.VectorSubcoreMesh(core_axis_name="c", subcore_axis_name="s")
    rbuf = pltpu.VMEM((SUB, DD), jnp.float32)

    @functools.partial(
        pl.kernel, mesh=mesh, compiler_params=_SC_PARAMS,
        out_type=jax.ShapeDtypeStruct((NPAD, DD), jnp.float32),
        scratch_types=[
            pltpu.VMEM((3, NSUB, SUB), jnp.int32),
            pltpu.VMEM((CPW, DD), jnp.float32),
            rbuf, rbuf, rbuf, rbuf, rbuf, rbuf, rbuf, rbuf,
            pltpu.SemaphoreType.DMA,
            pltpu.SemaphoreType.DMA,
        ],
    )
    def body(p0_h, p1_h, p2_h, p3_h, nl_h, f_h, idx_v, p0_v,
             ra1, ra2, ra3, rb1, rb2, rb3, fba, fbb, sema, semb):
        wid = lax.axis_index("s") * 2 + lax.axis_index("c")
        base_w = pl.multiple_of(wid * CPW, CPW)
        pltpu.sync_copy(nl_h.at[wid], idx_v)
        pltpu.sync_copy(p0_h.at[pl.ds(base_w, CPW)], p0_v)
        bufs_a, bufs_b = (ra1, ra2, ra3), (rb1, rb2, rb3)
        tabs = (p1_h, p2_h, p3_h)

        def issue(s, bufs, sem):
            for k in range(3):
                pltpu.async_copy(tabs[k].at[idx_v.at[k, s]], bufs[k], sem)

        def waitall(s, bufs, sem):
            for k in range(3):
                pltpu.make_async_copy(
                    tabs[k].at[idx_v.at[k, s]], bufs[k], sem).wait()

        def compute(s, bufs, fb):
            rowbase = s * SUB
            r1, r2, r3 = bufs

            def row4(i4, c):
                i = i4 * 4
                for u in range(4):
                    fb[i + u] = ((p0_v[rowbase + i + u] + r1[i + u])
                                 + (r2[i + u] + r3[i + u]))
                return c

            lax.fori_loop(0, SUB // 4, row4, 0)
            off = pl.multiple_of(base_w + rowbase, SUB)
            pltpu.sync_copy(fb, f_h.at[pl.ds(off, SUB)])

        issue(0, bufs_a, sema)

        def step(k, c):
            s = 2 * k
            issue(s + 1, bufs_b, semb)
            waitall(s, bufs_a, sema)
            compute(s, bufs_a, fba)

            @pl.when(s + 2 < NSUB)
            def _():
                issue(s + 2, bufs_a, sema)

            waitall(s + 1, bufs_b, semb)
            compute(s + 1, bufs_b, fbb)
            return c

        lax.fori_loop(0, NSUB // 2, step, 0)

    return body(p0, p1, p2, p3, nl3)


def _gather3(f1, nl3):
    mesh = plsc.VectorSubcoreMesh(core_axis_name="c", subcore_axis_name="s")
    ht = jax.ShapeDtypeStruct((NPAD, DD), jnp.float32)
    rbuf = pltpu.VMEM((SUB, DD), jnp.float32)

    @functools.partial(
        pl.kernel, mesh=mesh, compiler_params=_SC_PARAMS,
        out_type=[ht, ht, ht],
        scratch_types=[
            pltpu.VMEM((3, NSUB, SUB), jnp.int32),
            rbuf, rbuf, rbuf, rbuf, rbuf, rbuf,
            pltpu.SemaphoreType.DMA,
            pltpu.SemaphoreType.DMA,
        ],
    )
    def body(f1_h, nl_h, h1_h, h2_h, h3_h, idx_v,
             ra1, ra2, ra3, rb1, rb2, rb3, sema, semb):
        wid = lax.axis_index("s") * 2 + lax.axis_index("c")
        base_w = pl.multiple_of(wid * CPW, CPW)
        pltpu.sync_copy(nl_h.at[wid], idx_v)
        bufs_a, bufs_b = (ra1, ra2, ra3), (rb1, rb2, rb3)
        outs = (h1_h, h2_h, h3_h)

        def issue(s, bufs, sem):
            for k in range(3):
                pltpu.async_copy(f1_h.at[idx_v.at[k, s]], bufs[k], sem)

        def drain(s, bufs, sem):
            off = pl.multiple_of(base_w + s * SUB, SUB)
            for k in range(3):
                pltpu.make_async_copy(
                    f1_h.at[idx_v.at[k, s]], bufs[k], sem).wait()
                pltpu.sync_copy(bufs[k], outs[k].at[pl.ds(off, SUB)])

        issue(0, bufs_a, sema)

        def step(k, c):
            s = 2 * k
            issue(s + 1, bufs_b, semb)
            drain(s, bufs_a, sema)

            @pl.when(s + 2 < NSUB)
            def _():
                issue(s + 2, bufs_a, sema)

            drain(s + 1, bufs_b, semb)
            return c

        lax.fori_loop(0, NSUB // 2, step, 0)

    return body(f1, nl3)


def kernel(z_old, W, b, neighbour_list):
    w0, w1, w2, w3 = W[0::4], W[1::4], W[2::4], W[3::4]
    wstack = jnp.concatenate([w0, w1, w2, w3], axis=1)
    wblk = jnp.zeros((2 * D, D), jnp.float32)
    wblk = wblk.at[:D, :64].set(wstack).at[D:, 64:].set(wstack)
    b128 = jnp.tile(b, 8).reshape(1, D)
    eye8 = jnp.eye(8, dtype=jnp.float32)
    kmats = [jnp.kron(eye8, wk[:DD]) for wk in (w0, w1, w2, w3)]
    nlT = jnp.zeros((3, NPAD), jnp.int32).at[:, :N].set(neighbour_list.T)
    q = nlT % PBLK
    nlv = 8 * (BLKR * (nlT // PBLK) + q % BLKR) + q // BLKR
    nl3 = jnp.transpose(nlv.reshape(3, NW, 8, BLKR),
                        (1, 0, 3, 2)).reshape(NW, 3, NSUB, SUB)

    flat = lambda a: jnp.reshape(a, (NPAD, DD))
    wide = lambda a: jnp.reshape(a, (NROW, D))
    p0, p1, p2, p3 = _project(z_old, wblk, b128)
    f1 = _gather_sum(flat(p0), flat(p1), flat(p2), flat(p3), nl3)
    h1, h2, h3 = _gather3(f1, nl3)
    return _final(z_old, wide(f1), wide(h1), wide(h2), wide(h3), kmats)

# --- scband reference (transcript-rebuilt; emitter-appended) ---
"""Pipeline reference for scband-katies-neural-solver-66718021976437 (READ-ONLY COPY).

The authoritative reference and input builder live on the scoring server;
editing this copy changes nothing except your own understanding.
"""

import jax, jax.numpy as jnp
import numpy as np

N_PATCHES = 100000
D_LAT = 128
D_DYN = 16
NSTEPS = 2
STEPSIZE = 1.0


def setup_inputs(seed: int = 0) -> dict:
    key = jax.random.key(seed)
    k1, k2, k3 = jax.random.split(key, 3)
    z_old = jax.random.normal(k1, (N_PATCHES, D_LAT), dtype=jnp.float32)
    # neighbour_list: each patch has 3 neighbours on the dual mesh (ordered list)
    neighbour_list = jax.random.randint(k2, (N_PATCHES, 3), 0, N_PATCHES, dtype=jnp.int32)
    # interaction_model parameters: linear map R^{4*d_lat} -> R^{d_dyn}
    W = jax.random.normal(k3, (4 * D_LAT, D_DYN), dtype=jnp.float32) * (1.0 / np.sqrt(4 * D_LAT))
    b = jnp.zeros((D_DYN,), dtype=jnp.float32)
    return {"z_old": z_old, "W": W, "b": b, "neighbour_list": neighbour_list}


def reference(z_old, W, b, neighbour_list):
    # Faithful vectorized translation of the 2-D (unbatched) path of
    # Katies_NeuralSolver.forward. z_mid[n, d, 0] = z_old[n, d] (the expand),
    # z_mid[n, d, beta+1] = z_old[neighbour_list[n, beta], d] for beta in 0..2.
    z = z_old
    for _ in range(NSTEPS):
        self_col = z[:, :, None]                           # (N, D, 1)
        neigh = jnp.take(z, neighbour_list, axis=0)        # (N, 3, D) gather
        neigh = jnp.transpose(neigh, (0, 2, 1))            # (N, D, 3)
        z_mid = jnp.concatenate([self_col, neigh], axis=2)  # (N, D, 4)
        # interaction_model: flatten (d_lat, 4) -> 4*d_lat, linear to d_dyn
        F_theta = z_mid.reshape(N_PATCHES, D_LAT * 4) @ W + b  # (N, D_DYN)
        # z_old[:, :num_dyn] += stepsize * F_theta
        z = z.at[:, :D_DYN].add(STEPSIZE * F_theta)
    return z

if __name__ == "__main__":
    import jax
    _d = setup_inputs()
    print(jax.jit(kernel)(*tuple(_d.values())))

</pallas_src>

<mosaic_0001>
#map = affine_map<(d0, d1) -> (0, 0)>
#map1 = affine_map<(d0, d1) -> (0, 0, 0, 0)>
module attributes {stable_mosaic.version = 14 : i64} {
  func.func @body(%arg0: i32, %arg1: i32, %arg2: memref<100352x16xf32, #tpu.memory_space<hbm>>, %arg3: memref<100352x16xf32, #tpu.memory_space<hbm>>, %arg4: memref<100352x16xf32, #tpu.memory_space<hbm>>, %arg5: memref<100352x16xf32, #tpu.memory_space<hbm>>, %arg6: memref<32x3x28x112xi32, #tpu.memory_space<hbm>>, %arg7: memref<100352x16xf32, #tpu.memory_space<hbm>>, %arg8: memref<3x28x112xi32, #tpu.memory_space<vmem>>, %arg9: memref<3136x16xf32, #tpu.memory_space<vmem>>, %arg10: memref<112x16xf32, #tpu.memory_space<vmem>>, %arg11: memref<112x16xf32, #tpu.memory_space<vmem>>, %arg12: memref<112x16xf32, #tpu.memory_space<vmem>>, %arg13: memref<112x16xf32, #tpu.memory_space<vmem>>, %arg14: memref<112x16xf32, #tpu.memory_space<vmem>>, %arg15: memref<112x16xf32, #tpu.memory_space<vmem>>, %arg16: memref<112x16xf32, #tpu.memory_space<vmem>>, %arg17: memref<112x16xf32, #tpu.memory_space<vmem>>, %arg18: memref<!tpu.dma_semaphore, #tpu.memory_space<semaphore_mem>>, %arg19: memref<!tpu.dma_semaphore, #tpu.memory_space<semaphore_mem>>) attributes {dimension_semantics = [#tpu.dimension_semantics<core_parallel>, #tpu.dimension_semantics<subcore_parallel>], iteration_bounds = array<i64: 2, 16>, scalar_prefetch = 0 : i64, scratch_operands = 12 : i64, tpu.core_type = #tpu.core_type<sc_vector_subcore>, window_params = [{transform_indices = #map}, {transform_indices = #map}, {transform_indices = #map}, {transform_indices = #map}, {transform_indices = #map1}, {transform_indices = #map}]} {
    %mul3A = arith.constant 2 : i32
    %mul3A_0 = arith.muli %arg1, %mul3A : i32
    %add3A = arith.addi %mul3A_0, %arg0 : i32
    %mul3A_1 = arith.constant 3136 : i32
    %mul3A_2 = arith.muli %add3A, %mul3A_1 : i32
    %multiple_of3A = tpu.assume_multiple %mul3A_2, 3136 : i32
    "tpu.region"() ({
      %run_scoped3A = tpu.sem_alloc : memref<!tpu.dma_semaphore, #tpu.memory_space<semaphore_mem>>
      %dma_start3A_31 = arith.constant 0 : i32
      %dma_start3A_32 = arith.constant 0 : i32
      %dma_start3A_33 = arith.constant 0 : i32
      %dma_start3A_34 = tpu.memref_slice %arg6[%add3A, %dma_start3A_31, %dma_start3A_32, %dma_start3A_33] : memref<32x3x28x112xi32, #tpu.memory_space<hbm>> -> memref<1x3x28x112xi32, #tpu.memory_space<hbm>>
      %dma_start3A_35 = tpu.memref_squeeze %dma_start3A_34 : memref<1x3x28x112xi32, #tpu.memory_space<hbm>> -> memref<3x28x112xi32, #tpu.memory_space<hbm>>
      %dma_start3A_36 = arith.constant 0 : i32
      %dma_start3A_37 = arith.constant 0 : i32
      %dma_start3A_38 = arith.constant 0 : i32
      %dma_start3A_39 = tpu.memref_slice %arg6[%add3A, %dma_start3A_36, %dma_start3A_37, %dma_start3A_38] : memref<32x3x28x112xi32, #tpu.memory_space<hbm>> -> memref<1x3x28x112xi32, #tpu.memory_space<hbm>>
      %dma_start3A_40 = tpu.memref_squeeze %dma_start3A_39 : memref<1x3x28x112xi32, #tpu.memory_space<hbm>> -> memref<3x28x112xi32, #tpu.memory_space<hbm>>
      tpu.enqueue_dma source(%dma_start3A_40 : memref<3x28x112xi32, #tpu.memory_space<hbm>>) target(%arg8 : memref<3x28x112xi32, #tpu.memory_space<vmem>>) target_semaphore(%run_scoped3A : memref<!tpu.dma_semaphore, #tpu.memory_space<semaphore_mem>>)
      %dma_wait3A = arith.constant 0 : i32
      %dma_wait3A_41 = arith.constant 0 : i32
      %dma_wait3A_42 = arith.constant 0 : i32
      %dma_wait3A_43 = tpu.memref_slice %arg6[%add3A, %dma_wait3A, %dma_wait3A_41, %dma_wait3A_42] : memref<32x3x28x112xi32, #tpu.memory_space<hbm>> -> memref<1x3x28x112xi32, #tpu.memory_space<hbm>>
      %dma_wait3A_44 = tpu.memref_squeeze %dma_wait3A_43 : memref<1x3x28x112xi32, #tpu.memory_space<hbm>> -> memref<3x28x112xi32, #tpu.memory_space<hbm>>
      %dma_wait3A_45 = arith.constant 0 : i32
      %dma_wait3A_46 = arith.constant 0 : i32
      %dma_wait3A_47 = arith.constant 0 : i32
      %dma_wait3A_48 = tpu.memref_slice %arg6[%add3A, %dma_wait3A_45, %dma_wait3A_46, %dma_wait3A_47] : memref<32x3x28x112xi32, #tpu.memory_space<hbm>> -> memref<1x3x28x112xi32, #tpu.memory_space<hbm>>
      %dma_wait3A_49 = tpu.memref_squeeze %dma_wait3A_48 : memref<1x3x28x112xi32, #tpu.memory_space<hbm>> -> memref<3x28x112xi32, #tpu.memory_space<hbm>>
      tpu.wait_dma2 semaphore(%run_scoped3A : memref<!tpu.dma_semaphore, #tpu.memory_space<semaphore_mem>>) src(%dma_wait3A_49 : memref<3x28x112xi32, #tpu.memory_space<hbm>>) dst(%arg8 : memref<3x28x112xi32, #tpu.memory_space<vmem>>)
      tpu.yield
    }) : () -> ()
    "tpu.region"() ({
      %run_scoped3A = tpu.sem_alloc : memref<!tpu.dma_semaphore, #tpu.memory_space<semaphore_mem>>
      %dma_start3A_31 = arith.constant 0 : i32
      %dma_start3A_32 = tpu.memref_slice %arg2[%multiple_of3A, %dma_start3A_31] : memref<100352x16xf32, #tpu.memory_space<hbm>> -> memref<3136x16xf32, #tpu.memory_space<hbm>>
      %dma_start3A_33 = arith.constant 0 : i32
      %dma_start3A_34 = tpu.memref_slice %arg2[%multiple_of3A, %dma_start3A_33] : memref<100352x16xf32, #tpu.memory_space<hbm>> -> memref<3136x16xf32, #tpu.memory_space<hbm>>
      tpu.enqueue_dma source(%dma_start3A_34 : memref<3136x16xf32, #tpu.memory_space<hbm>>) target(%arg9 : memref<3136x16xf32, #tpu.memory_space<vmem>>) target_semaphore(%run_scoped3A : memref<!tpu.dma_semaphore, #tpu.memory_space<semaphore_mem>>)
      %dma_wait3A = arith.constant 0 : i32
      %dma_wait3A_35 = tpu.memref_slice %arg2[%multiple_of3A, %dma_wait3A] : memref<100352x16xf32, #tpu.memory_space<hbm>> -> memref<3136x16xf32, #tpu.memory_space<hbm>>
      %dma_wait3A_36 = arith.constant 0 : i32
      %dma_wait3A_37 = tpu.memref_slice %arg2[%multiple_of3A, %dma_wait3A_36] : memref<100352x16xf32, #tpu.memory_space<hbm>> -> memref<3136x16xf32, #tpu.memory_space<hbm>>
      tpu.wait_dma2 semaphore(%run_scoped3A : memref<!tpu.dma_semaphore, #tpu.memory_space<semaphore_mem>>) src(%dma_wait3A_37 : memref<3136x16xf32, #tpu.memory_space<hbm>>) dst(%arg9 : memref<3136x16xf32, #tpu.memory_space<vmem>>)
      tpu.yield
    }) : () -> ()
    %dma_start3A = arith.constant 0 : i32
    %dma_start3A_3 = arith.constant 0 : i32
    %dma_start3A_4 = arith.constant 0 : i32
    %dma_start3A_5 = tpu.memref_slice %arg8[%dma_start3A, %dma_start3A_3, %dma_start3A_4] : memref<3x28x112xi32, #tpu.memory_space<vmem>> -> memref<1x1x112xi32, #tpu.memory_space<vmem>>
    %dma_start3A_6 = tpu.memref_squeeze %dma_start3A_5 : memref<1x1x112xi32, #tpu.memory_space<vmem>> -> memref<112xi32, #tpu.memory_space<vmem>>
    %dma_start3A_7 = arith.constant 0 : i32
    %dma_start3A_8 = arith.constant 0 : i32
    %dma_start3A_9 = tpu.memref_slice %arg3[%dma_start3A_7, %dma_start3A_8] : memref<100352x16xf32, #tpu.memory_space<hbm>> -> memref<100352x16xf32, #tpu.memory_space<hbm>>
    tpu.enqueue_indirect_dma source(%dma_start3A_9 : memref<100352x16xf32, #tpu.memory_space<hbm>>) target(%arg10 : memref<112x16xf32, #tpu.memory_space<vmem>>) offsets(%dma_start3A_6 : memref<112xi32, #tpu.memory_space<vmem>>) semaphore(%arg18 : memref<!tpu.dma_semaphore, #tpu.memory_space<semaphore_mem>>)
    %dma_start3A_10 = arith.constant 1 : i32
    %dma_start3A_11 = arith.constant 0 : i32
    %dma_start3A_12 = arith.constant 0 : i32
    %dma_start3A_13 = tpu.memref_slice %arg8[%dma_start3A_10, %dma_start3A_11, %dma_start3A_12] : memref<3x28x112xi32, #tpu.memory_space<vmem>> -> memref<1x1x112xi32, #tpu.memory_space<vmem>>
    %dma_start3A_14 = tpu.memref_squeeze %dma_start3A_13 : memref<1x1x112xi32, #tpu.memory_space<vmem>> -> memref<112xi32, #tpu.memory_space<vmem>>
    %dma_start3A_15 = arith.constant 0 : i32
    %dma_start3A_16 = arith.constant 0 : i32
    %dma_start3A_17 = tpu.memref_slice %arg4[%dma_start3A_15, %dma_start3A_16] : memref<100352x16xf32, #tpu.memory_space<hbm>> -> memref<100352x16xf32, #tpu.memory_space<hbm>>
    tpu.enqueue_indirect_dma source(%dma_start3A_17 : memref<100352x16xf32, #tpu.memory_space<hbm>>) target(%arg11 : memref<112x16xf32, #tpu.memory_space<vmem>>) offsets(%dma_start3A_14 : memref<112xi32, #tpu.memory_space<vmem>>) semaphore(%arg18 : memref<!tpu.dma_semaphore, #tpu.memory_space<semaphore_mem>>)
    %dma_start3A_18 = arith.constant 2 : i32
    %dma_start3A_19 = arith.constant 0 : i32
    %dma_start3A_20 = arith.constant 0 : i32
    %dma_start3A_21 = tpu.memref_slice %arg8[%dma_start3A_18, %dma_start3A_19, %dma_start3A_20] : memref<3x28x112xi32, #tpu.memory_space<vmem>> -> memref<1x1x112xi32, #tpu.memory_space<vmem>>
    %dma_start3A_22 = tpu.memref_squeeze %dma_start3A_21 : memref<1x1x112xi32, #tpu.memory_space<vmem>> -> memref<112xi32, #tpu.memory_space<vmem>>
    %dma_start3A_23 = arith.constant 0 : i32
    %dma_start3A_24 = arith.constant 0 : i32
    %dma_start3A_25 = tpu.memref_slice %arg5[%dma_start3A_23, %dma_start3A_24] : memref<100352x16xf32, #tpu.memory_space<hbm>> -> memref<100352x16xf32, #tpu.memory_space<hbm>>
    tpu.enqueue_indirect_dma source(%dma_start3A_25 : memref<100352x16xf32, #tpu.memory_space<hbm>>) target(%arg12 : memref<112x16xf32, #tpu.memory_space<vmem>>) offsets(%dma_start3A_22 : memref<112xi32, #tpu.memory_space<vmem>>) semaphore(%arg18 : memref<!tpu.dma_semaphore, #tpu.memory_space<semaphore_mem>>)
    %scan3A = arith.constant 0 : i32
    %scan3A_26 = arith.constant 0 : i32
    %scan3A_27 = arith.constant 14 : i32
    %scan3A_28 = arith.addi %scan3A_26, %scan3A_27 : i32
    %scan3A_29 = arith.constant 1 : i32
    scf.for %scan3A_31 = %scan3A_26 to %scan3A_28 step %scan3A_29  : i32 {
      %mul3A_32 = arith.constant 2 : i32
      %mul3A_33 = arith.muli %mul3A_32, %scan3A_31 : i32
      %add3A_34 = arith.constant 1 : i32
      %add3A_35 = arith.addi %mul3A_33, %add3A_34 : i32
      %dma_start3A_36 = arith.constant 0 : i32
      %dma_start3A_37 = arith.constant 0 : i32
      %dma_start3A_38 = tpu.memref_slice %arg8[%dma_start3A_36, %add3A_35, %dma_start3A_37] : memref<3x28x112xi32, #tpu.memory_space<vmem>> -> memref<1x1x112xi32, #tpu.memory_space<vmem>>
      %dma_start3A_39 = tpu.memref_squeeze %dma_start3A_38 : memref<1x1x112xi32, #tpu.memory_space<vmem>> -> memref<112xi32, #tpu.memory_space<vmem>>
      %dma_start3A_40 = arith.constant 0 : i32
      %dma_start3A_41 = arith.constant 0 : i32
      %dma_start3A_42 = tpu.memref_slice %arg3[%dma_start3A_40, %dma_start3A_41] : memref<100352x16xf32, #tpu.memory_space<hbm>> -> memref<100352x16xf32, #tpu.memory_space<hbm>>
      tpu.enqueue_indirect_dma source(%dma_start3A_42 : memref<100352x16xf32, #tpu.memory_space<hbm>>) target(%arg13 : memref<112x16xf32, #tpu.memory_space<vmem>>) offsets(%dma_start3A_39 : memref<112xi32, #tpu.memory_space<vmem>>) semaphore(%arg19 : memref<!tpu.dma_semaphore, #tpu.memory_space<semaphore_mem>>)
      %dma_start3A_43 = arith.constant 1 : i32
      %dma_start3A_44 = arith.constant 0 : i32
      %dma_start3A_45 = tpu.memref_slice %arg8[%dma_start3A_43, %add3A_35, %dma_start3A_44] : memref<3x28x112xi32, #tpu.memory_space<vmem>> -> memref<1x1x112xi32, #tpu.memory_space<vmem>>
      %dma_start3A_46 = tpu.memref_squeeze %dma_start3A_45 : memref<1x1x112xi32, #tpu.memory_space<vmem>> -> memref<112xi32, #tpu.memory_space<vmem>>
      %dma_start3A_47 = arith.constant 0 : i32
      %dma_start3A_48 = arith.constant 0 : i32
      %dma_start3A_49 = tpu.memref_slice %arg4[%dma_start3A_47, %dma_start3A_48] : memref<100352x16xf32, #tpu.memory_space<hbm>> -> memref<100352x16xf32, #tpu.memory_space<hbm>>
      tpu.enqueue_indirect_dma source(%dma_start3A_49 : memref<100352x16xf32, #tpu.memory_space<hbm>>) target(%arg14 : memref<112x16xf32, #tpu.memory_space<vmem>>) offsets(%dma_start3A_46 : memref<112xi32, #tpu.memory_space<vmem>>) semaphore(%arg19 : memref<!tpu.dma_semaphore, #tpu.memory_space<semaphore_mem>>)
      %dma_start3A_50 = arith.constant 2 : i32
      %dma_start3A_51 = arith.constant 0 : i32
      %dma_start3A_52 = tpu.memref_slice %arg8[%dma_start3A_50, %add3A_35, %dma_start3A_51] : memref<3x28x112xi32, #tpu.memory_space<vmem>> -> memref<1x1x112xi32, #tpu.memory_space<vmem>>
      %dma_start3A_53 = tpu.memref_squeeze %dma_start3A_52 : memref<1x1x112xi32, #tpu.memory_space<vmem>> -> memref<112xi32, #tpu.memory_space<vmem>>
      %dma_start3A_54 = arith.constant 0 : i32
      %dma_start3A_55 = arith.constant 0 : i32
      %dma_start3A_56 = tpu.memref_slice %arg5[%dma_start3A_54, %dma_start3A_55] : memref<100352x16xf32, #tpu.memory_space<hbm>> -> memref<100352x16xf32, #tpu.memory_space<hbm>>
      tpu.enqueue_indirect_dma source(%dma_start3A_56 : memref<100352x16xf32, #tpu.memory_space<hbm>>) target(%arg15 : memref<112x16xf32, #tpu.memory_space<vmem>>) offsets(%dma_start3A_53 : memref<112xi32, #tpu.memory_space<vmem>>) semaphore(%arg19 : memref<!tpu.dma_semaphore, #tpu.memory_space<semaphore_mem>>)
      %dma_wait3A = arith.constant 0 : i32
      %dma_wait3A_57 = arith.constant 0 : i32
      %dma_wait3A_58 = tpu.memref_slice %arg8[%dma_wait3A, %mul3A_33, %dma_wait3A_57] : memref<3x28x112xi32, #tpu.memory_space<vmem>> -> memref<1x1x112xi32, #tpu.memory_space<vmem>>
      %dma_wait3A_59 = tpu.memref_squeeze %dma_wait3A_58 : memref<1x1x112xi32, #tpu.memory_space<vmem>> -> memref<112xi32, #tpu.memory_space<vmem>>
      %dma_wait3A_60 = arith.constant 0 : i32
      %dma_wait3A_61 = arith.constant 0 : i32
      %dma_wait3A_62 = tpu.memref_slice %arg3[%dma_wait3A_60, %dma_wait3A_61] : memref<100352x16xf32, #tpu.memory_space<hbm>> -> memref<100352x16xf32, #tpu.memory_space<hbm>>
      tpu.wait_indirect_dma semaphore(%arg18 : memref<!tpu.dma_semaphore, #tpu.memory_space<semaphore_mem>>) src(%dma_wait3A_62 : memref<100352x16xf32, #tpu.memory_space<hbm>>) dst(%arg10 : memref<112x16xf32, #tpu.memory_space<vmem>>)
      %dma_wait3A_63 = arith.constant 1 : i32
      %dma_wait3A_64 = arith.constant 0 : i32
      %dma_wait3A_65 = tpu.memref_slice %arg8[%dma_wait3A_63, %mul3A_33, %dma_wait3A_64] : memref<3x28x112xi32, #tpu.memory_space<vmem>> -> memref<1x1x112xi32, #tpu.memory_space<vmem>>
      %dma_wait3A_66 = tpu.memref_squeeze %dma_wait3A_65 : memref<1x1x112xi32, #tpu.memory_space<vmem>> -> memref<112xi32, #tpu.memory_space<vmem>>
      %dma_wait3A_67 = arith.constant 0 : i32
      %dma_wait3A_68 = arith.constant 0 : i32
      %dma_wait3A_69 = tpu.memref_slice %arg4[%dma_wait3A_67, %dma_wait3A_68] : memref<100352x16xf32, #tpu.memory_space<hbm>> -> memref<100352x16xf32, #tpu.memory_space<hbm>>
      tpu.wait_indirect_dma semaphore(%arg18 : memref<!tpu.dma_semaphore, #tpu.memory_space<semaphore_mem>>) src(%dma_wait3A_69 : memref<100352x16xf32, #tpu.memory_space<hbm>>) dst(%arg11 : memref<112x16xf32, #tpu.memory_space<vmem>>)
      %dma_wait3A_70 = arith.constant 2 : i32
      %dma_wait3A_71 = arith.constant 0 : i32
      %dma_wait3A_72 = tpu.memref_slice %arg8[%dma_wait3A_70, %mul3A_33, %dma_wait3A_71] : memref<3x28x112xi32, #tpu.memory_space<vmem>> -> memref<1x1x112xi32, #tpu.memory_space<vmem>>
      %dma_wait3A_73 = tpu.memref_squeeze %dma_wait3A_72 : memref<1x1x112xi32, #tpu.memory_space<vmem>> -> memref<112xi32, #tpu.memory_space<vmem>>
      %dma_wait3A_74 = arith.constant 0 : i32
      %dma_wait3A_75 = arith.constant 0 : i32
      %dma_wait3A_76 = tpu.memref_slice %arg5[%dma_wait3A_74, %dma_wait3A_75] : memref<100352x16xf32, #tpu.memory_space<hbm>> -> memref<100352x16xf32, #tpu.memory_space<hbm>>
      tpu.wait_indirect_dma semaphore(%arg18 : memref<!tpu.dma_semaphore, #tpu.memory_space<semaphore_mem>>) src(%dma_wait3A_76 : memref<100352x16xf32, #tpu.memory_space<hbm>>) dst(%arg12 : memref<112x16xf32, #tpu.memory_space<vmem>>)
      %mul3A_77 = arith.constant 112 : i32
      %mul3A_78 = arith.muli %mul3A_33, %mul3A_77 : i32
      %scan3A_79 = arith.constant 0 : i32
      %scan3A_80 = arith.constant 0 : i32
      %scan3A_81 = arith.constant 28 : i32
      %scan3A_82 = arith.addi %scan3A_80, %scan3A_81 : i32
      %scan3A_83 = arith.constant 1 : i32
      scf.for %scan3A_126 = %scan3A_80 to %scan3A_82 step %scan3A_83  : i32 {
        %mul3A_127 = arith.constant 4 : i32
        %mul3A_128 = arith.muli %scan3A_126, %mul3A_127 : i32
        %add3A_129 = arith.addi %mul3A_78, %mul3A_128 : i32
        %add3A_130 = arith.constant 0 : i32
        %add3A_131 = arith.addi %add3A_129, %add3A_130 : i32
        %get3A = arith.index_cast %add3A_131 : i32 to index
        %get3A_132 = arith.constant 0 : index
        %get3A_133 = tpu.vector_load %arg9[%get3A, %get3A_132] {strides = array<i32>} : memref<3136x16xf32, #tpu.memory_space<vmem>>, vector<1x16xf32>,
        %get3A_134 = vector.shape_cast %get3A_133 : vector<1x16xf32> to vector<16xf32>
        %add3A_135 = arith.constant 0 : i32
        %add3A_136 = arith.addi %mul3A_128, %add3A_135 : i32
        %get3A_137 = arith.index_cast %add3A_136 : i32 to index
        %get3A_138 = arith.constant 0 : index
        %get3A_139 = tpu.vector_load %arg10[%get3A_137, %get3A_138] {strides = array<i32>} : memref<112x16xf32, #tpu.memory_space<vmem>>, vector<1x16xf32>,
        %get3A_140 = vector.shape_cast %get3A_139 : vector<1x16xf32> to vector<16xf32>
        %add3A_141 = arith.addf %get3A_134, %get3A_140 : vector<16xf32>
        %add3A_142 = arith.constant 0 : i32
        %add3A_143 = arith.addi %mul3A_128, %add3A_142 : i32
        %get3A_144 = arith.index_cast %add3A_143 : i32 to index
        %get3A_145 = arith.constant 0 : index
        %get3A_146 = tpu.vector_load %arg11[%get3A_144, %get3A_145] {strides = array<i32>} : memref<112x16xf32, #tpu.memory_space<vmem>>, vector<1x16xf32>,
        %get3A_147 = vector.shape_cast %get3A_146 : vector<1x16xf32> to vector<16xf32>
        %add3A_148 = arith.constant 0 : i32
        %add3A_149 = arith.addi %mul3A_128, %add3A_148 : i32
        %get3A_150 = arith.index_cast %add3A_149 : i32 to index
        %get3A_151 = arith.constant 0 : index
        %get3A_152 = tpu.vector_load %arg12[%get3A_150, %get3A_151] {strides = array<i32>} : memref<112x16xf32, #tpu.memory_space<vmem>>, vector<1x16xf32>,
        %get3A_153 = vector.shape_cast %get3A_152 : vector<1x16xf32> to vector<16xf32>
        %add3A_154 = arith.addf %get3A_147, %get3A_153 : vector<16xf32>
        %add3A_155 = arith.addf %add3A_141, %add3A_154 : vector<16xf32>
        %add3A_156 = arith.constant 0 : i32
        %add3A_157 = arith.addi %mul3A_128, %add3A_156 : i32
        %swap3A = arith.index_cast %add3A_157 : i32 to index
        %swap3A_158 = arith.constant 0 : index
        %swap3A_159 = tpu.vector_load %arg16[%swap3A, %swap3A_158] {strides = array<i32>} : memref<112x16xf32, #tpu.memory_space<vmem>>, vector<1x16xf32>,
        %swap3A_160 = vector.shape_cast %swap3A_159 : vector<1x16xf32> to vector<16xf32>
        %swap3A_161 = vector.shape_cast %add3A_155 : vector<16xf32> to vector<1x16xf32>
        tpu.vector_store %arg16[%swap3A, %swap3A_158], %swap3A_161 {strides = array<i32>} : memref<112x16xf32, #tpu.memory_space<vmem>>, vector<1x16xf32>,
        %add3A_162 = arith.addi %mul3A_78, %mul3A_128 : i32
        %add3A_163 = arith.constant 1 : i32
        %add3A_164 = arith.addi %add3A_162, %add3A_163 : i32
        %get3A_165 = arith.index_cast %add3A_164 : i32 to index
        %get3A_166 = arith.constant 0 : index
        %get3A_167 = tpu.vector_load %arg9[%get3A_165, %get3A_166] {strides = array<i32>} : memref<3136x16xf32, #tpu.memory_space<vmem>>, vector<1x16xf32>,
        %get3A_168 = vector.shape_cast %get3A_167 : vector<1x16xf32> to vector<16xf32>
        %add3A_169 = arith.constant 1 : i32
        %add3A_170 = arith.addi %mul3A_128, %add3A_169 : i32
        %get3A_171 = arith.index_cast %add3A_170 : i32 to index
        %get3A_172 = arith.constant 0 : index
        %get3A_173 = tpu.vector_load %arg10[%get3A_171, %get3A_172] {strides = array<i32>} : memref<112x16xf32, #tpu.memory_space<vmem>>, vector<1x16xf32>,
        %get3A_174 = vector.shape_cast %get3A_173 : vector<1x16xf32> to vector<16xf32>
        %add3A_175 = arith.addf %get3A_168, %get3A_174 : vector<16xf32>
        %add3A_176 = arith.constant 1 : i32
        %add3A_177 = arith.addi %mul3A_128, %add3A_176 : i32
        %get3A_178 = arith.index_cast %add3A_177 : i32 to index
        %get3A_179 = arith.constant 0 : index
        %get3A_180 = tpu.vector_load %arg11[%get3A_178, %get3A_179] {strides = array<i32>} : memref<112x16xf32, #tpu.memory_space<vmem>>, vector<1x16xf32>,
        %get3A_181 = vector.shape_cast %get3A_180 : vector<1x16xf32> to vector<16xf32>
        %add3A_182 = arith.constant 1 : i32
        %add3A_183 = arith.addi %mul3A_128, %add3A_182 : i32
        %get3A_184 = arith.index_cast %add3A_183 : i32 to index
        %get3A_185 = arith.constant 0 : index
        %get3A_186 = tpu.vector_load %arg12[%get3A_184, %get3A_185] {strides = array<i32>} : memref<112x16xf32, #tpu.memory_space<vmem>>, vector<1x16xf32>,
        %get3A_187 = vector.shape_cast %get3A_186 : vector<1x16xf32> to vector<16xf32>
        %add3A_188 = arith.addf %get3A_181, %get3A_187 : vector<16xf32>
        %add3A_189 = arith.addf %add3A_175, %add3A_188 : vector<16xf32>
        %add3A_190 = arith.constant 1 : i32
        %add3A_191 = arith.addi %mul3A_128, %add3A_190 : i32
        %swap3A_192 = arith.index_cast %add3A_191 : i32 to index
        %swap3A_193 = arith.constant 0 : index
        %swap3A_194 = tpu.vector_load %arg16[%swap3A_192, %swap3A_193] {strides = array<i32>} : memref<112x16xf32, #tpu.memory_space<vmem>>, vector<1x16xf32>,
        %swap3A_195 = vector.shape_cast %swap3A_194 : vector<1x16xf32> to vector<16xf32>
        %swap3A_196 = vector.shape_cast %add3A_189 : vector<16xf32> to vector<1x16xf32>
        tpu.vector_store %arg16[%swap3A_192, %swap3A_193], %swap3A_196 {strides = array<i32>} : memref<112x16xf32, #tpu.memory_space<vmem>>, vector<1x16xf32>,
        %add3A_197 = arith.addi %mul3A_78, %mul3A_128 : i32
        %add3A_198 = arith.constant 2 : i32
        %add3A_199 = arith.addi %add3A_197, %add3A_198 : i32
        %get3A_200 = arith.index_cast %add3A_199 : i32 to index
        %get3A_201 = arith.constant 0 : index
        %get3A_202 = tpu.vector_load %arg9[%get3A_200, %get3A_201] {strides = array<i32>} : memref<3136x16xf32, #tpu.memory_space<vmem>>, vector<1x16xf32>,
        %get3A_203 = vector.shape_cast %get3A_202 : vector<1x16xf32> to vector<16xf32>
        %add3A_204 = arith.constant 2 : i32
        %add3A_205 = arith.addi %mul3A_128, %add3A_204 : i32
        %get3A_206 = arith.index_cast %add3A_205 : i32 to index
        %get3A_207 = arith.constant 0 : index
        %get3A_208 = tpu.vector_load %arg10[%get3A_206, %get3A_207] {strides = array<i32>} : memref<112x16xf32, #tpu.memory_space<vmem>>, vector<1x16xf32>,
        %get3A_209 = vector.shape_cast %get3A_208 : vector<1x16xf32> to vector<16xf32>
        %add3A_210 = arith.addf %get3A_203, %get3A_209 : vector<16xf32>
        %add3A_211 = arith.constant 2 : i32
        %add3A_212 = arith.addi %mul3A_128, %add3A_211 : i32
        %get3A_213 = arith.index_cast %add3A_212 : i32 to index
        %get3A_214 = arith.constant 0 : index
        %get3A_215 = tpu.vector_load %arg11[%get3A_213, %get3A_214] {strides = array<i32>} : memref<112x16xf32, #tpu.memory_space<vmem>>, vector<1x16xf32>,
        %get3A_216 = vector.shape_cast %get3A_215 : vector<1x16xf32> to vector<16xf32>
        %add3A_217 = arith.constant 2 : i32
        %add3A_218 = arith.addi %mul3A_128, %add3A_217 : i32
        %get3A_219 = arith.index_cast %add3A_218 : i32 to index
        %get3A_220 = arith.constant 0 : index
        %get3A_221 = tpu.vector_load %arg12[%get3A_219, %get3A_220] {strides = array<i32>} : memref<112x16xf32, #tpu.memory_space<vmem>>, vector<1x16xf32>,
        %get3A_222 = vector.shape_cast %get3A_221 : vector<1x16xf32> to vector<16xf32>
        %add3A_223 = arith.addf %get3A_216, %get3A_222 : vector<16xf32>
        %add3A_224 = arith.addf %add3A_210, %add3A_223 : vector<16xf32>
        %add3A_225 = arith.constant 2 : i32
        %add3A_226 = arith.addi %mul3A_128, %add3A_225 : i32
        %swap3A_227 = arith.index_cast %add3A_226 : i32 to index
        %swap3A_228 = arith.constant 0 : index
        %swap3A_229 = tpu.vector_load %arg16[%swap3A_227, %swap3A_228] {strides = array<i32>} : memref<112x16xf32, #tpu.memory_space<vmem>>, vector<1x16xf32>,
        %swap3A_230 = vector.shape_cast %swap3A_229 : vector<1x16xf32> to vector<16xf32>
        %swap3A_231 = vector.shape_cast %add3A_224 : vector<16xf32> to vector<1x16xf32>
        tpu.vector_store %arg16[%swap3A_227, %swap3A_228], %swap3A_231 {strides = array<i32>} : memref<112x16xf32, #tpu.memory_space<vmem>>, vector<1x16xf32>,
        %add3A_232 = arith.addi %mul3A_78, %mul3A_128 : i32
        %add3A_233 = arith.constant 3 : i32
        %add3A_234 = arith.addi %add3A_232, %add3A_233 : i32
        %get3A_235 = arith.index_cast %add3A_234 : i32 to index
        %get3A_236 = arith.constant 0 : index
        %get3A_237 = tpu.vector_load %arg9[%get3A_235, %get3A_236] {strides = array<i32>} : memref<3136x16xf32, #tpu.memory_space<vmem>>, vector<1x16xf32>,
        %get3A_238 = vector.shape_cast %get3A_237 : vector<1x16xf32> to vector<16xf32>
        %add3A_239 = arith.constant 3 : i32
        %add3A_240 = arith.addi %mul3A_128, %add3A_239 : i32
        %get3A_241 = arith.index_cast %add3A_240 : i32 to index
        %get3A_242 = arith.constant 0 : index
        %get3A_243 = tpu.vector_load %arg10[%get3A_241, %get3A_242] {strides = array<i32>} : memref<112x16xf32, #tpu.memory_space<vmem>>, vector<1x16xf32>,
        %get3A_244 = vector.shape_cast %get3A_243 : vector<1x16xf32> to vector<16xf32>
        %add3A_245 = arith.addf %get3A_238, %get3A_244 : vector<16xf32>
        %add3A_246 = arith.constant 3 : i32
        %add3A_247 = arith.addi %mul3A_128, %add3A_246 : i32
        %get3A_248 = arith.index_cast %add3A_247 : i32 to index
        %get3A_249 = arith.constant 0 : index
        %get3A_250 = tpu.vector_load %arg11[%get3A_248, %get3A_249] {strides = array<i32>} : memref<112x16xf32, #tpu.memory_space<vmem>>, vector<1x16xf32>,
        %get3A_251 = vector.shape_cast %get3A_250 : vector<1x16xf32> to vector<16xf32>
        %add3A_252 = arith.constant 3 : i32
        %add3A_253 = arith.addi %mul3A_128, %add3A_252 : i32
        %get3A_254 = arith.index_cast %add3A_253 : i32 to index
        %get3A_255 = arith.constant 0 : index
        %get3A_256 = tpu.vector_load %arg12[%get3A_254, %get3A_255] {strides = array<i32>} : memref<112x16xf32, #tpu.memory_space<vmem>>, vector<1x16xf32>,
        %get3A_257 = vector.shape_cast %get3A_256 : vector<1x16xf32> to vector<16xf32>
        %add3A_258 = arith.addf %get3A_251, %get3A_257 : vector<16xf32>
        %add3A_259 = arith.addf %add3A_245, %add3A_258 : vector<16xf32>
        %add3A_260 = arith.constant 3 : i32
        %add3A_261 = arith.addi %mul3A_128, %add3A_260 : i32
        %swap3A_262 = arith.index_cast %add3A_261 : i32 to index
        %swap3A_263 = arith.constant 0 : index
        %swap3A_264 = tpu.vector_load %arg16[%swap3A_262, %swap3A_263] {strides = array<i32>} : memref<112x16xf32, #tpu.memory_space<vmem>>, vector<1x16xf32>,
        %swap3A_265 = vector.shape_cast %swap3A_264 : vector<1x16xf32> to vector<16xf32>
        %swap3A_266 = vector.shape_cast %add3A_259 : vector<16xf32> to vector<1x16xf32>
        tpu.vector_store %arg16[%swap3A_262, %swap3A_263], %swap3A_266 {strides = array<i32>} : memref<112x16xf32, #tpu.memory_space<vmem>>, vector<1x16xf32>,
      }
      %scan3A_84 = arith.constant 28 : i32
      %add3A_85 = arith.addi %multiple_of3A, %mul3A_78 : i32
      %multiple_of3A_86 = tpu.assume_multiple %add3A_85, 112 : i32
      "tpu.region"() ({
        %run_scoped3A = tpu.sem_alloc : memref<!tpu.dma_semaphore, #tpu.memory_space<semaphore_mem>>
        %dma_start3A_126 = arith.constant 0 : i32
        %dma_start3A_127 = tpu.memref_slice %arg7[%multiple_of3A_86, %dma_start3A_126] : memref<100352x16xf32, #tpu.memory_space<hbm>> -> memref<112x16xf32, #tpu.memory_space<hbm>>
        %dma_start3A_128 = arith.constant 0 : i32
        %dma_start3A_129 = tpu.memref_slice %arg7[%multiple_of3A_86, %dma_start3A_128] : memref<100352x16xf32, #tpu.memory_space<hbm>> -> memref<112x16xf32, #tpu.memory_space<hbm>>
        tpu.enqueue_dma source(%arg16 : memref<112x16xf32, #tpu.memory_space<vmem>>) target(%dma_start3A_129 : memref<112x16xf32, #tpu.memory_space<hbm>>) target_semaphore(%run_scoped3A : memref<!tpu.dma_semaphore, #tpu.memory_space<semaphore_mem>>)
        %dma_wait3A_130 = arith.constant 0 : i32
        %dma_wait3A_131 = tpu.memref_slice %arg7[%multiple_of3A_86, %dma_wait3A_130] : memref<100352x16xf32, #tpu.memory_space<hbm>> -> memref<112x16xf32, #tpu.memory_space<hbm>>
        %dma_wait3A_132 = arith.constant 0 : i32
        %dma_wait3A_133 = tpu.memref_slice %arg7[%multiple_of3A_86, %dma_wait3A_132] : memref<100352x16xf32, #tpu.memory_space<hbm>> -> memref<112x16xf32, #tpu.memory_space<hbm>>
        tpu.wait_dma2 semaphore(%run_scoped3A : memref<!tpu.dma_semaphore, #tpu.memory_space<semaphore_mem>>) src(%arg16 : memref<112x16xf32, #tpu.memory_space<vmem>>) dst(%dma_wait3A_133 : memref<112x16xf32, #tpu.memory_space<hbm>>)
        tpu.yield
      }) : () -> ()
      %add3A_87 = arith.constant 2 : i32
      %add3A_88 = arith.addi %mul3A_33, %add3A_87 : i32
      %lt3A = arith.constant 28 : i32
      %lt3A_89 = arith.cmpi slt, %add3A_88, %lt3A : i32
      %convert_element_type3A = arith.extui %lt3A_89 : i1 to i32
      %cond3A = arith.constant 0 : i32
      %cond3A_90 = arith.cmpi ne, %convert_element_type3A, %cond3A : i32
      scf.if %cond3A_90 {
        %add3A_126 = arith.constant 2 : i32
        %add3A_127 = arith.addi %mul3A_33, %add3A_126 : i32
        %dma_start3A_128 = arith.constant 0 : i32
        %dma_start3A_129 = arith.constant 0 : i32
        %dma_start3A_130 = tpu.memref_slice %arg8[%dma_start3A_128, %add3A_127, %dma_start3A_129] : memref<3x28x112xi32, #tpu.memory_space<vmem>> -> memref<1x1x112xi32, #tpu.memory_space<vmem>>
        %dma_start3A_131 = tpu.memref_squeeze %dma_start3A_130 : memref<1x1x112xi32, #tpu.memory_space<vmem>> -> memref<112xi32, #tpu.memory_space<vmem>>
        %dma_start3A_132 = arith.constant 0 : i32
        %dma_start3A_133 = arith.constant 0 : i32
        %dma_start3A_134 = tpu.memref_slice %arg3[%dma_start3A_132, %dma_start3A_133] : memref<100352x16xf32, #tpu.memory_space<hbm>> -> memref<100352x16xf32, #tpu.memory_space<hbm>>
        tpu.enqueue_indirect_dma source(%dma_start3A_134 : memref<100352x16xf32, #tpu.memory_space<hbm>>) target(%arg10 : memref<112x16xf32, #tpu.memory_space<vmem>>) offsets(%dma_start3A_131 : memref<112xi32, #tpu.memory_space<vmem>>) semaphore(%arg18 : memref<!tpu.dma_semaphore, #tpu.memory_space<semaphore_mem>>)
        %dma_start3A_135 = arith.constant 1 : i32
        %dma_start3A_136 = arith.constant 0 : i32
        %dma_start3A_137 = tpu.memref_slice %arg8[%dma_start3A_135, %add3A_127, %dma_start3A_136] : memref<3x28x112xi32, #tpu.memory_space<vmem>> -> memref<1x1x112xi32, #tpu.memory_space<vmem>>
        %dma_start3A_138 = tpu.memref_squeeze %dma_start3A_137 : memref<1x1x112xi32, #tpu.memory_space<vmem>> -> memref<112xi32, #tpu.memory_space<vmem>>
        %dma_start3A_139 = arith.constant 0 : i32
        %dma_start3A_140 = arith.constant 0 : i32
        %dma_start3A_141 = tpu.memref_slice %arg4[%dma_start3A_139, %dma_start3A_140] : memref<100352x16xf32, #tpu.memory_space<hbm>> -> memref<100352x16xf32, #tpu.memory_space<hbm>>
        tpu.enqueue_indirect_dma source(%dma_start3A_141 : memref<100352x16xf32, #tpu.memory_space<hbm>>) target(%arg11 : memref<112x16xf32, #tpu.memory_space<vmem>>) offsets(%dma_start3A_138 : memref<112xi32, #tpu.memory_space<vmem>>) semaphore(%arg18 : memref<!tpu.dma_semaphore, #tpu.memory_space<semaphore_mem>>)
        %dma_start3A_142 = arith.constant 2 : i32
        %dma_start3A_143 = arith.constant 0 : i32
        %dma_start3A_144 = tpu.memref_slice %arg8[%dma_start3A_142, %add3A_127, %dma_start3A_143] : memref<3x28x112xi32, #tpu.memory_space<vmem>> -> memref<1x1x112xi32, #tpu.memory_space<vmem>>
        %dma_start3A_145 = tpu.memref_squeeze %dma_start3A_144 : memref<1x1x112xi32, #tpu.memory_space<vmem>> -> memref<112xi32, #tpu.memory_space<vmem>>
        %dma_start3A_146 = arith.constant 0 : i32
        %dma_start3A_147 = arith.constant 0 : i32
        %dma_start3A_148 = tpu.memref_slice %arg5[%dma_start3A_146, %dma_start3A_147] : memref<100352x16xf32, #tpu.memory_space<hbm>> -> memref<100352x16xf32, #tpu.memory_space<hbm>>
        tpu.enqueue_indirect_dma source(%dma_start3A_148 : memref<100352x16xf32, #tpu.memory_space<hbm>>) target(%arg12 : memref<112x16xf32, #tpu.memory_space<vmem>>) offsets(%dma_start3A_145 : memref<112xi32, #tpu.memory_space<vmem>>) semaphore(%arg18 : memref<!tpu.dma_semaphore, #tpu.memory_space<semaphore_mem>>)
      } else {
      }
      %add3A_91 = arith.constant 1 : i32
      %add3A_92 = arith.addi %mul3A_33, %add3A_91 : i32
      %dma_wait3A_93 = arith.constant 0 : i32
      %dma_wait3A_94 = arith.constant 0 : i32
      %dma_wait3A_95 = tpu.memref_slice %arg8[%dma_wait3A_93, %add3A_92, %dma_wait3A_94] : memref<3x28x112xi32, #tpu.memory_space<vmem>> -> memref<1x1x112xi32, #tpu.memory_space<vmem>>
      %dma_wait3A_96 = tpu.memref_squeeze %dma_wait3A_95 : memref<1x1x112xi32, #tpu.memory_space<vmem>> -> memref<112xi32, #tpu.memory_space<vmem>>
      %dma_wait3A_97 = arith.constant 0 : i32
      %dma_wait3A_98 = arith.constant 0 : i32
      %dma_wait3A_99 = tpu.memref_slice %arg3[%dma_wait3A_97, %dma_wait3A_98] : memref<100352x16xf32, #tpu.memory_space<hbm>> -> memref<100352x16xf32, #tpu.memory_space<hbm>>
      tpu.wait_indirect_dma semaphore(%arg19 : memref<!tpu.dma_semaphore, #tpu.memory_space<semaphore_mem>>) src(%dma_wait3A_99 : memref<100352x16xf32, #tpu.memory_space<hbm>>) dst(%arg13 : memref<112x16xf32, #tpu.memory_space<vmem>>)
      %dma_wait3A_100 = arith.constant 1 : i32
      %dma_wait3A_101 = arith.constant 0 : i32
      %dma_wait3A_102 = tpu.memref_slice %arg8[%dma_wait3A_100, %add3A_92, %dma_wait3A_101] : memref<3x28x112xi32, #tpu.memory_space<vmem>> -> memref<1x1x112xi32, #tpu.memory_space<vmem>>
      %dma_wait3A_103 = tpu.memref_squeeze %dma_wait3A_102 : memref<1x1x112xi32, #tpu.memory_space<vmem>> -> memref<112xi32, #tpu.memory_space<vmem>>
      %dma_wait3A_104 = arith.constant 0 : i32
      %dma_wait3A_105 = arith.constant 0 : i32
      %dma_wait3A_106 = tpu.memref_slice %arg4[%dma_wait3A_104, %dma_wait3A_105] : memref<100352x16xf32, #tpu.memory_space<hbm>> -> memref<100352x16xf32, #tpu.memory_space<hbm>>
      tpu.wait_indirect_dma semaphore(%arg19 : memref<!tpu.dma_semaphore, #tpu.memory_space<semaphore_mem>>) src(%dma_wait3A_106 : memref<100352x16xf32, #tpu.memory_space<hbm>>) dst(%arg14 : memref<112x16xf32, #tpu.memory_space<vmem>>)
      %dma_wait3A_107 = arith.constant 2 : i32
      %dma_wait3A_108 = arith.constant 0 : i32
      %dma_wait3A_109 = tpu.memref_slice %arg8[%dma_wait3A_107, %add3A_92, %dma_wait3A_108] : memref<3x28x112xi32, #tpu.memory_space<vmem>> -> memref<1x1x112xi32, #tpu.memory_space<vmem>>
      %dma_wait3A_110 = tpu.memref_squeeze %dma_wait3A_109 : memref<1x1x112xi32, #tpu.memory_space<vmem>> -> memref<112xi32, #tpu.memory_space<vmem>>
      %dma_wait3A_111 = arith.constant 0 : i32
      %dma_wait3A_112 = arith.constant 0 : i32
      %dma_wait3A_113 = tpu.memref_slice %arg5[%dma_wait3A_111, %dma_wait3A_112] : memref<100352x16xf32, #tpu.memory_space<hbm>> -> memref<100352x16xf32, #tpu.memory_space<hbm>>
      tpu.wait_indirect_dma semaphore(%arg19 : memref<!tpu.dma_semaphore, #tpu.memory_space<semaphore_mem>>) src(%dma_wait3A_113 : memref<100352x16xf32, #tpu.memory_space<hbm>>) dst(%arg15 : memref<112x16xf32, #tpu.memory_space<vmem>>)
      %add3A_114 = arith.constant 1 : i32
      %add3A_115 = arith.addi %mul3A_33, %add3A_114 : i32
      %mul3A_116 = arith.constant 112 : i32
      %mul3A_117 = arith.muli %add3A_115, %mul3A_116 : i32
      %scan3A_118 = arith.constant 0 : i32
      %scan3A_119 = arith.constant 0 : i32
      %scan3A_120 = arith.constant 28 : i32
      %scan3A_121 = arith.addi %scan3A_119, %scan3A_120 : i32
      %scan3A_122 = arith.constant 1 : i32
      scf.for %scan3A_126 = %scan3A_119 to %scan3A_121 step %scan3A_122  : i32 {
        %mul3A_127 = arith.constant 4 : i32
        %mul3A_128 = arith.muli %scan3A_126, %mul3A_127 : i32
        %add3A_129 = arith.addi %mul3A_117, %mul3A_128 : i32
        %add3A_130 = arith.constant 0 : i32
        %add3A_131 = arith.addi %add3A_129, %add3A_130 : i32
        %get3A = arith.index_cast %add3A_131 : i32 to index
        %get3A_132 = arith.constant 0 : index
        %get3A_133 = tpu.vector_load %arg9[%get3A, %get3A_132] {strides = array<i32>} : memref<3136x16xf32, #tpu.memory_space<vmem>>, vector<1x16xf32>,
        %get3A_134 = vector.shape_cast %get3A_133 : vector<1x16xf32> to vector<16xf32>
        %add3A_135 = arith.constant 0 : i32
        %add3A_136 = arith.addi %mul3A_128, %add3A_135 : i32
        %get3A_137 = arith.index_cast %add3A_136 : i32 to index
        %get3A_138 = arith.constant 0 : index
        %get3A_139 = tpu.vector_load %arg13[%get3A_137, %get3A_138] {strides = array<i32>} : memref<112x16xf32, #tpu.memory_space<vmem>>, vector<1x16xf32>,
        %get3A_140 = vector.shape_cast %get3A_139 : vector<1x16xf32> to vector<16xf32>
        %add3A_141 = arith.addf %get3A_134, %get3A_140 : vector<16xf32>
        %add3A_142 = arith.constant 0 : i32
        %add3A_143 = arith.addi %mul3A_128, %add3A_142 : i32
        %get3A_144 = arith.index_cast %add3A_143 : i32 to index
        %get3A_145 = arith.constant 0 : index
        %get3A_146 = tpu.vector_load %arg14[%get3A_144, %get3A_145] {strides = array<i32>} : memref<112x16xf32, #tpu.memory_space<vmem>>, vector<1x16xf32>,
        %get3A_147 = vector.shape_cast %get3A_146 : vector<1x16xf32> to vector<16xf32>
        %add3A_148 = arith.constant 0 : i32
        %add3A_149 = arith.addi %mul3A_128, %add3A_148 : i32
        %get3A_150 = arith.index_cast %add3A_149 : i32 to index
        %get3A_151 = arith.constant 0 : index
        %get3A_152 = tpu.vector_load %arg15[%get3A_150, %get3A_151] {strides = array<i32>} : memref<112x16xf32, #tpu.memory_space<vmem>>, vector<1x16xf32>,
        %get3A_153 = vector.shape_cast %get3A_152 : vector<1x16xf32> to vector<16xf32>
        %add3A_154 = arith.addf %get3A_147, %get3A_153 : vector<16xf32>
        %add3A_155 = arith.addf %add3A_141, %add3A_154 : vector<16xf32>
        %add3A_156 = arith.constant 0 : i32
        %add3A_157 = arith.addi %mul3A_128, %add3A_156 : i32
        %swap3A = arith.index_cast %add3A_157 : i32 to index
        %swap3A_158 = arith.constant 0 : index
        %swap3A_159 = tpu.vector_load %arg17[%swap3A, %swap3A_158] {strides = array<i32>} : memref<112x16xf32, #tpu.memory_space<vmem>>, vector<1x16xf32>,
        %swap3A_160 = vector.shape_cast %swap3A_159 : vector<1x16xf32> to vector<16xf32>
        %swap3A_161 = vector.shape_cast %add3A_155 : vector<16xf32> to vector<1x16xf32>
        tpu.vector_store %arg17[%swap3A, %swap3A_158], %swap3A_161 {strides = array<i32>} : memref<112x16xf32, #tpu.memory_space<vmem>>, vector<1x16xf32>,
        %add3A_162 = arith.addi %mul3A_117, %mul3A_128 : i32
        %add3A_163 = arith.constant 1 : i32
        %add3A_164 = arith.addi %add3A_162, %add3A_163 : i32
        %get3A_165 = arith.index_cast %add3A_164 : i32 to index
        %get3A_166 = arith.constant 0 : index
        %get3A_167 = tpu.vector_load %arg9[%get3A_165, %get3A_166] {strides = array<i32>} : memref<3136x16xf32, #tpu.memory_space<vmem>>, vector<1x16xf32>,
        %get3A_168 = vector.shape_cast %get3A_167 : vector<1x16xf32> to vector<16xf32>
        %add3A_169 = arith.constant 1 : i32
        %add3A_170 = arith.addi %mul3A_128, %add3A_169 : i32
        %get3A_171 = arith.index_cast %add3A_170 : i32 to index
        %get3A_172 = arith.constant 0 : index
        %get3A_173 = tpu.vector_load %arg13[%get3A_171, %get3A_172] {strides = array<i32>} : memref<112x16xf32, #tpu.memory_space<vmem>>, vector<1x16xf32>,
        %get3A_174 = vector.shape_cast %get3A_173 : vector<1x16xf32> to vector<16xf32>
        %add3A_175 = arith.addf %get3A_168, %get3A_174 : vector<16xf32>
        %add3A_176 = arith.constant 1 : i32
        %add3A_177 = arith.addi %mul3A_128, %add3A_176 : i32
        %get3A_178 = arith.index_cast %add3A_177 : i32 to index
        %get3A_179 = arith.constant 0 : index
        %get3A_180 = tpu.vector_load %arg14[%get3A_178, %get3A_179] {strides = array<i32>} : memref<112x16xf32, #tpu.memory_space<vmem>>, vector<1x16xf32>,
        %get3A_181 = vector.shape_cast %get3A_180 : vector<1x16xf32> to vector<16xf32>
        %add3A_182 = arith.constant 1 : i32
        %add3A_183 = arith.addi %mul3A_128, %add3A_182 : i32
        %get3A_184 = arith.index_cast %add3A_183 : i32 to index
        %get3A_185 = arith.constant 0 : index
        %get3A_186 = tpu.vector_load %arg15[%get3A_184, %get3A_185] {strides = array<i32>} : memref<112x16xf32, #tpu.memory_space<vmem>>, vector<1x16xf32>,
        %get3A_187 = vector.shape_cast %get3A_186 : vector<1x16xf32> to vector<16xf32>
        %add3A_188 = arith.addf %get3A_181, %get3A_187 : vector<16xf32>
        %add3A_189 = arith.addf %add3A_175, %add3A_188 : vector<16xf32>
        %add3A_190 = arith.constant 1 : i32
        %add3A_191 = arith.addi %mul3A_128, %add3A_190 : i32
        %swap3A_192 = arith.index_cast %add3A_191 : i32 to index
        %swap3A_193 = arith.constant 0 : index
        %swap3A_194 = tpu.vector_load %arg17[%swap3A_192, %swap3A_193] {strides = array<i32>} : memref<112x16xf32, #tpu.memory_space<vmem>>, vector<1x16xf32>,
        %swap3A_195 = vector.shape_cast %swap3A_194 : vector<1x16xf32> to vector<16xf32>
        %swap3A_196 = vector.shape_cast %add3A_189 : vector<16xf32> to vector<1x16xf32>
        tpu.vector_store %arg17[%swap3A_192, %swap3A_193], %swap3A_196 {strides = array<i32>} : memref<112x16xf32, #tpu.memory_space<vmem>>, vector<1x16xf32>,
        %add3A_197 = arith.addi %mul3A_117, %mul3A_128 : i32
        %add3A_198 = arith.constant 2 : i32
        %add3A_199 = arith.addi %add3A_197, %add3A_198 : i32
        %get3A_200 = arith.index_cast %add3A_199 : i32 to index
        %get3A_201 = arith.constant 0 : index
        %get3A_202 = tpu.vector_load %arg9[%get3A_200, %get3A_201] {strides = array<i32>} : memref<3136x16xf32, #tpu.memory_space<vmem>>, vector<1x16xf32>,
        %get3A_203 = vector.shape_cast %get3A_202 : vector<1x16xf32> to vector<16xf32>
        %add3A_204 = arith.constant 2 : i32
        %add3A_205 = arith.addi %mul3A_128, %add3A_204 : i32
        %get3A_206 = arith.index_cast %add3A_205 : i32 to index
        %get3A_207 = arith.constant 0 : index
        %get3A_208 = tpu.vector_load %arg13[%get3A_206, %get3A_207] {strides = array<i32>} : memref<112x16xf32, #tpu.memory_space<vmem>>, vector<1x16xf32>,
        %get3A_209 = vector.shape_cast %get3A_208 : vector<1x16xf32> to vector<16xf32>
        %add3A_210 = arith.addf %get3A_203, %get3A_209 : vector<16xf32>
        %add3A_211 = arith.constant 2 : i32
        %add3A_212 = arith.addi %mul3A_128, %add3A_211 : i32
        %get3A_213 = arith.index_cast %add3A_212 : i32 to index
        %get3A_214 = arith.constant 0 : index
        %get3A_215 = tpu.vector_load %arg14[%get3A_213, %get3A_214] {strides = array<i32>} : memref<112x16xf32, #tpu.memory_space<vmem>>, vector<1x16xf32>,
        %get3A_216 = vector.shape_cast %get3A_215 : vector<1x16xf32> to vector<16xf32>
        %add3A_217 = arith.constant 2 : i32
        %add3A_218 = arith.addi %mul3A_128, %add3A_217 : i32
        %get3A_219 = arith.index_cast %add3A_218 : i32 to index
        %get3A_220 = arith.constant 0 : index
        %get3A_221 = tpu.vector_load %arg15[%get3A_219, %get3A_220] {strides = array<i32>} : memref<112x16xf32, #tpu.memory_space<vmem>>, vector<1x16xf32>,
        %get3A_222 = vector.shape_cast %get3A_221 : vector<1x16xf32> to vector<16xf32>
        %add3A_223 = arith.addf %get3A_216, %get3A_222 : vector<16xf32>
        %add3A_224 = arith.addf %add3A_210, %add3A_223 : vector<16xf32>
        %add3A_225 = arith.constant 2 : i32
        %add3A_226 = arith.addi %mul3A_128, %add3A_225 : i32
        %swap3A_227 = arith.index_cast %add3A_226 : i32 to index
        %swap3A_228 = arith.constant 0 : index
        %swap3A_229 = tpu.vector_load %arg17[%swap3A_227, %swap3A_228] {strides = array<i32>} : memref<112x16xf32, #tpu.memory_space<vmem>>, vector<1x16xf32>,
        %swap3A_230 = vector.shape_cast %swap3A_229 : vector<1x16xf32> to vector<16xf32>
        %swap3A_231 = vector.shape_cast %add3A_224 : vector<16xf32> to vector<1x16xf32>
        tpu.vector_store %arg17[%swap3A_227, %swap3A_228], %swap3A_231 {strides = array<i32>} : memref<112x16xf32, #tpu.memory_space<vmem>>, vector<1x16xf32>,
        %add3A_232 = arith.addi %mul3A_117, %mul3A_128 : i32
        %add3A_233 = arith.constant 3 : i32
        %add3A_234 = arith.addi %add3A_232, %add3A_233 : i32
        %get3A_235 = arith.index_cast %add3A_234 : i32 to index
        %get3A_236 = arith.constant 0 : index
        %get3A_237 = tpu.vector_load %arg9[%get3A_235, %get3A_236] {strides = array<i32>} : memref<3136x16xf32, #tpu.memory_space<vmem>>, vector<1x16xf32>,
        %get3A_238 = vector.shape_cast %get3A_237 : vector<1x16xf32> to vector<16xf32>
        %add3A_239 = arith.constant 3 : i32
        %add3A_240 = arith.addi %mul3A_128, %add3A_239 : i32
        %get3A_241 = arith.index_cast %add3A_240 : i32 to index
        %get3A_242 = arith.constant 0 : index
        %get3A_243 = tpu.vector_load %arg13[%get3A_241, %get3A_242] {strides = array<i32>} : memref<112x16xf32, #tpu.memory_space<vmem>>, vector<1x16xf32>,
        %get3A_244 = vector.shape_cast %get3A_243 : vector<1x16xf32> to vector<16xf32>
        %add3A_245 = arith.addf %get3A_238, %get3A_244 : vector<16xf32>
        %add3A_246 = arith.constant 3 : i32
        %add3A_247 = arith.addi %mul3A_128, %add3A_246 : i32
        %get3A_248 = arith.index_cast %add3A_247 : i32 to index
        %get3A_249 = arith.constant 0 : index
        %get3A_250 = tpu.vector_load %arg14[%get3A_248, %get3A_249] {strides = array<i32>} : memref<112x16xf32, #tpu.memory_space<vmem>>, vector<1x16xf32>,
        %get3A_251 = vector.shape_cast %get3A_250 : vector<1x16xf32> to vector<16xf32>
        %add3A_252 = arith.constant 3 : i32
        %add3A_253 = arith.addi %mul3A_128, %add3A_252 : i32
        %get3A_254 = arith.index_cast %add3A_253 : i32 to index
        %get3A_255 = arith.constant 0 : index
        %get3A_256 = tpu.vector_load %arg15[%get3A_254, %get3A_255] {strides = array<i32>} : memref<112x16xf32, #tpu.memory_space<vmem>>, vector<1x16xf32>,
        %get3A_257 = vector.shape_cast %get3A_256 : vector<1x16xf32> to vector<16xf32>
        %add3A_258 = arith.addf %get3A_251, %get3A_257 : vector<16xf32>
        %add3A_259 = arith.addf %add3A_245, %add3A_258 : vector<16xf32>
        %add3A_260 = arith.constant 3 : i32
        %add3A_261 = arith.addi %mul3A_128, %add3A_260 : i32
        %swap3A_262 = arith.index_cast %add3A_261 : i32 to index
        %swap3A_263 = arith.constant 0 : index
        %swap3A_264 = tpu.vector_load %arg17[%swap3A_262, %swap3A_263] {strides = array<i32>} : memref<112x16xf32, #tpu.memory_space<vmem>>, vector<1x16xf32>,
        %swap3A_265 = vector.shape_cast %swap3A_264 : vector<1x16xf32> to vector<16xf32>
        %swap3A_266 = vector.shape_cast %add3A_259 : vector<16xf32> to vector<1x16xf32>
        tpu.vector_store %arg17[%swap3A_262, %swap3A_263], %swap3A_266 {strides = array<i32>} : memref<112x16xf32, #tpu.memory_space<vmem>>, vector<1x16xf32>,
      }
      %scan3A_123 = arith.constant 28 : i32
      %add3A_124 = arith.addi %multiple_of3A, %mul3A_117 : i32
      %multiple_of3A_125 = tpu.assume_multiple %add3A_124, 112 : i32
      "tpu.region"() ({
        %run_scoped3A = tpu.sem_alloc : memref<!tpu.dma_semaphore, #tpu.memory_space<semaphore_mem>>
        %dma_start3A_126 = arith.constant 0 : i32
        %dma_start3A_127 = tpu.memref_slice %arg7[%multiple_of3A_125, %dma_start3A_126] : memref<100352x16xf32, #tpu.memory_space<hbm>> -> memref<112x16xf32, #tpu.memory_space<hbm>>
        %dma_start3A_128 = arith.constant 0 : i32
        %dma_start3A_129 = tpu.memref_slice %arg7[%multiple_of3A_125, %dma_start3A_128] : memref<100352x16xf32, #tpu.memory_space<hbm>> -> memref<112x16xf32, #tpu.memory_space<hbm>>
        tpu.enqueue_dma source(%arg17 : memref<112x16xf32, #tpu.memory_space<vmem>>) target(%dma_start3A_129 : memref<112x16xf32, #tpu.memory_space<hbm>>) target_semaphore(%run_scoped3A : memref<!tpu.dma_semaphore, #tpu.memory_space<semaphore_mem>>)
        %dma_wait3A_130 = arith.constant 0 : i32
        %dma_wait3A_131 = tpu.memref_slice %arg7[%multiple_of3A_125, %dma_wait3A_130] : memref<100352x16xf32, #tpu.memory_space<hbm>> -> memref<112x16xf32, #tpu.memory_space<hbm>>
        %dma_wait3A_132 = arith.constant 0 : i32
        %dma_wait3A_133 = tpu.memref_slice %arg7[%multiple_of3A_125, %dma_wait3A_132] : memref<100352x16xf32, #tpu.memory_space<hbm>> -> memref<112x16xf32, #tpu.memory_space<hbm>>
        tpu.wait_dma2 semaphore(%run_scoped3A : memref<!tpu.dma_semaphore, #tpu.memory_space<semaphore_mem>>) src(%arg17 : memref<112x16xf32, #tpu.memory_space<vmem>>) dst(%dma_wait3A_133 : memref<112x16xf32, #tpu.memory_space<hbm>>)
        tpu.yield
      }) : () -> ()
    }
    %scan3A_30 = arith.constant 14 : i32
    return
  }
}

#map = affine_map<(d0, d1) -> (0, 0)>
#map1 = affine_map<(d0, d1) -> (0, 0, 0, 0)>
module attributes {stable_mosaic.version = 14 : i64} {
  func.func @body(%arg0: i32, %arg1: i32, %arg2: memref<100352x16xf32, #tpu.memory_space<hbm>>, %arg3: memref<32x3x28x112xi32, #tpu.memory_space<hbm>>, %arg4: memref<100352x16xf32, #tpu.memory_space<hbm>>, %arg5: memref<100352x16xf32, #tpu.memory_space<hbm>>, %arg6: memref<100352x16xf32, #tpu.memory_space<hbm>>, %arg7: memref<3x28x112xi32, #tpu.memory_space<vmem>>, %arg8: memref<112x16xf32, #tpu.memory_space<vmem>>, %arg9: memref<112x16xf32, #tpu.memory_space<vmem>>, %arg10: memref<112x16xf32, #tpu.memory_space<vmem>>, %arg11: memref<112x16xf32, #tpu.memory_space<vmem>>, %arg12: memref<112x16xf32, #tpu.memory_space<vmem>>, %arg13: memref<112x16xf32, #tpu.memory_space<vmem>>, %arg14: memref<!tpu.dma_semaphore, #tpu.memory_space<semaphore_mem>>, %arg15: memref<!tpu.dma_semaphore, #tpu.memory_space<semaphore_mem>>) attributes {dimension_semantics = [#tpu.dimension_semantics<core_parallel>, #tpu.dimension_semantics<subcore_parallel>], iteration_bounds = array<i64: 2, 16>, scalar_prefetch = 0 : i64, scratch_operands = 9 : i64, tpu.core_type = #tpu.core_type<sc_vector_subcore>, window_params = [{transform_indices = #map}, {transform_indices = #map1}, {transform_indices = #map}, {transform_indices = #map}, {transform_indices = #map}]} {
    %mul3A = arith.constant 2 : i32
    %mul3A_0 = arith.muli %arg1, %mul3A : i32
    %add3A = arith.addi %mul3A_0, %arg0 : i32
    %mul3A_1 = arith.constant 3136 : i32
    %mul3A_2 = arith.muli %add3A, %mul3A_1 : i32
    %multiple_of3A = tpu.assume_multiple %mul3A_2, 3136 : i32
    "tpu.region"() ({
      %run_scoped3A = tpu.sem_alloc : memref<!tpu.dma_semaphore, #tpu.memory_space<semaphore_mem>>
      %dma_start3A_31 = arith.constant 0 : i32
      %dma_start3A_32 = arith.constant 0 : i32
      %dma_start3A_33 = arith.constant 0 : i32
      %dma_start3A_34 = tpu.memref_slice %arg3[%add3A, %dma_start3A_31, %dma_start3A_32, %dma_start3A_33] : memref<32x3x28x112xi32, #tpu.memory_space<hbm>> -> memref<1x3x28x112xi32, #tpu.memory_space<hbm>>
      %dma_start3A_35 = tpu.memref_squeeze %dma_start3A_34 : memref<1x3x28x112xi32, #tpu.memory_space<hbm>> -> memref<3x28x112xi32, #tpu.memory_space<hbm>>
      %dma_start3A_36 = arith.constant 0 : i32
      %dma_start3A_37 = arith.constant 0 : i32
      %dma_start3A_38 = arith.constant 0 : i32
      %dma_start3A_39 = tpu.memref_slice %arg3[%add3A, %dma_start3A_36, %dma_start3A_37, %dma_start3A_38] : memref<32x3x28x112xi32, #tpu.memory_space<hbm>> -> memref<1x3x28x112xi32, #tpu.memory_space<hbm>>
      %dma_start3A_40 = tpu.memref_squeeze %dma_start3A_39 : memref<1x3x28x112xi32, #tpu.memory_space<hbm>> -> memref<3x28x112xi32, #tpu.memory_space<hbm>>
      tpu.enqueue_dma source(%dma_start3A_40 : memref<3x28x112xi32, #tpu.memory_space<hbm>>) target(%arg7 : memref<3x28x112xi32, #tpu.memory_space<vmem>>) target_semaphore(%run_scoped3A : memref<!tpu.dma_semaphore, #tpu.memory_space<semaphore_mem>>)
      %dma_wait3A = arith.constant 0 : i32
      %dma_wait3A_41 = arith.constant 0 : i32
      %dma_wait3A_42 = arith.constant 0 : i32
      %dma_wait3A_43 = tpu.memref_slice %arg3[%add3A, %dma_wait3A, %dma_wait3A_41, %dma_wait3A_42] : memref<32x3x28x112xi32, #tpu.memory_space<hbm>> -> memref<1x3x28x112xi32, #tpu.memory_space<hbm>>
      %dma_wait3A_44 = tpu.memref_squeeze %dma_wait3A_43 : memref<1x3x28x112xi32, #tpu.memory_space<hbm>> -> memref<3x28x112xi32, #tpu.memory_space<hbm>>
      %dma_wait3A_45 = arith.constant 0 : i32
      %dma_wait3A_46 = arith.constant 0 : i32
      %dma_wait3A_47 = arith.constant 0 : i32
      %dma_wait3A_48 = tpu.memref_slice %arg3[%add3A, %dma_wait3A_45, %dma_wait3A_46, %dma_wait3A_47] : memref<32x3x28x112xi32, #tpu.memory_space<hbm>> -> memref<1x3x28x112xi32, #tpu.memory_space<hbm>>
      %dma_wait3A_49 = tpu.memref_squeeze %dma_wait3A_48 : memref<1x3x28x112xi32, #tpu.memory_space<hbm>> -> memref<3x28x112xi32, #tpu.memory_space<hbm>>
      tpu.wait_dma2 semaphore(%run_scoped3A : memref<!tpu.dma_semaphore, #tpu.memory_space<semaphore_mem>>) src(%dma_wait3A_49 : memref<3x28x112xi32, #tpu.memory_space<hbm>>) dst(%arg7 : memref<3x28x112xi32, #tpu.memory_space<vmem>>)
      tpu.yield
    }) : () -> ()
    %dma_start3A = arith.constant 0 : i32
    %dma_start3A_3 = arith.constant 0 : i32
    %dma_start3A_4 = arith.constant 0 : i32
    %dma_start3A_5 = tpu.memref_slice %arg7[%dma_start3A, %dma_start3A_3, %dma_start3A_4] : memref<3x28x112xi32, #tpu.memory_space<vmem>> -> memref<1x1x112xi32, #tpu.memory_space<vmem>>
    %dma_start3A_6 = tpu.memref_squeeze %dma_start3A_5 : memref<1x1x112xi32, #tpu.memory_space<vmem>> -> memref<112xi32, #tpu.memory_space<vmem>>
    %dma_start3A_7 = arith.constant 0 : i32
    %dma_start3A_8 = arith.constant 0 : i32
    %dma_start3A_9 = tpu.memref_slice %arg2[%dma_start3A_7, %dma_start3A_8] : memref<100352x16xf32, #tpu.memory_space<hbm>> -> memref<100352x16xf32, #tpu.memory_space<hbm>>
    tpu.enqueue_indirect_dma source(%dma_start3A_9 : memref<100352x16xf32, #tpu.memory_space<hbm>>) target(%arg8 : memref<112x16xf32, #tpu.memory_space<vmem>>) offsets(%dma_start3A_6 : memref<112xi32, #tpu.memory_space<vmem>>) semaphore(%arg14 : memref<!tpu.dma_semaphore, #tpu.memory_space<semaphore_mem>>)
    %dma_start3A_10 = arith.constant 1 : i32
    %dma_start3A_11 = arith.constant 0 : i32
    %dma_start3A_12 = arith.constant 0 : i32
    %dma_start3A_13 = tpu.memref_slice %arg7[%dma_start3A_10, %dma_start3A_11, %dma_start3A_12] : memref<3x28x112xi32, #tpu.memory_space<vmem>> -> memref<1x1x112xi32, #tpu.memory_space<vmem>>
    %dma_start3A_14 = tpu.memref_squeeze %dma_start3A_13 : memref<1x1x112xi32, #tpu.memory_space<vmem>> -> memref<112xi32, #tpu.memory_space<vmem>>
    %dma_start3A_15 = arith.constant 0 : i32
    %dma_start3A_16 = arith.constant 0 : i32
    %dma_start3A_17 = tpu.memref_slice %arg2[%dma_start3A_15, %dma_start3A_16] : memref<100352x16xf32, #tpu.memory_space<hbm>> -> memref<100352x16xf32, #tpu.memory_space<hbm>>
    tpu.enqueue_indirect_dma source(%dma_start3A_17 : memref<100352x16xf32, #tpu.memory_space<hbm>>) target(%arg9 : memref<112x16xf32, #tpu.memory_space<vmem>>) offsets(%dma_start3A_14 : memref<112xi32, #tpu.memory_space<vmem>>) semaphore(%arg14 : memref<!tpu.dma_semaphore, #tpu.memory_space<semaphore_mem>>)
    %dma_start3A_18 = arith.constant 2 : i32
    %dma_start3A_19 = arith.constant 0 : i32
    %dma_start3A_20 = arith.constant 0 : i32
    %dma_start3A_21 = tpu.memref_slice %arg7[%dma_start3A_18, %dma_start3A_19, %dma_start3A_20] : memref<3x28x112xi32, #tpu.memory_space<vmem>> -> memref<1x1x112xi32, #tpu.memory_space<vmem>>
    %dma_start3A_22 = tpu.memref_squeeze %dma_start3A_21 : memref<1x1x112xi32, #tpu.memory_space<vmem>> -> memref<112xi32, #tpu.memory_space<vmem>>
    %dma_start3A_23 = arith.constant 0 : i32
    %dma_start3A_24 = arith.constant 0 : i32
    %dma_start3A_25 = tpu.memref_slice %arg2[%dma_start3A_23, %dma_start3A_24] : memref<100352x16xf32, #tpu.memory_space<hbm>> -> memref<100352x16xf32, #tpu.memory_space<hbm>>
    tpu.enqueue_indirect_dma source(%dma_start3A_25 : memref<100352x16xf32, #tpu.memory_space<hbm>>) target(%arg10 : memref<112x16xf32, #tpu.memory_space<vmem>>) offsets(%dma_start3A_22 : memref<112xi32, #tpu.memory_space<vmem>>) semaphore(%arg14 : memref<!tpu.dma_semaphore, #tpu.memory_space<semaphore_mem>>)
    %scan3A = arith.constant 0 : i32
    %scan3A_26 = arith.constant 0 : i32
    %scan3A_27 = arith.constant 14 : i32
    %scan3A_28 = arith.addi %scan3A_26, %scan3A_27 : i32
    %scan3A_29 = arith.constant 1 : i32
    scf.for %scan3A_31 = %scan3A_26 to %scan3A_28 step %scan3A_29  : i32 {
      %mul3A_32 = arith.constant 2 : i32
      %mul3A_33 = arith.muli %mul3A_32, %scan3A_31 : i32
      %add3A_34 = arith.constant 1 : i32
      %add3A_35 = arith.addi %mul3A_33, %add3A_34 : i32
      %dma_start3A_36 = arith.constant 0 : i32
      %dma_start3A_37 = arith.constant 0 : i32
      %dma_start3A_38 = tpu.memref_slice %arg7[%dma_start3A_36, %add3A_35, %dma_start3A_37] : memref<3x28x112xi32, #tpu.memory_space<vmem>> -> memref<1x1x112xi32, #tpu.memory_space<vmem>>
      %dma_start3A_39 = tpu.memref_squeeze %dma_start3A_38 : memref<1x1x112xi32, #tpu.memory_space<vmem>> -> memref<112xi32, #tpu.memory_space<vmem>>
      %dma_start3A_40 = arith.constant 0 : i32
      %dma_start3A_41 = arith.constant 0 : i32
      %dma_start3A_42 = tpu.memref_slice %arg2[%dma_start3A_40, %dma_start3A_41] : memref<100352x16xf32, #tpu.memory_space<hbm>> -> memref<100352x16xf32, #tpu.memory_space<hbm>>
      tpu.enqueue_indirect_dma source(%dma_start3A_42 : memref<100352x16xf32, #tpu.memory_space<hbm>>) target(%arg11 : memref<112x16xf32, #tpu.memory_space<vmem>>) offsets(%dma_start3A_39 : memref<112xi32, #tpu.memory_space<vmem>>) semaphore(%arg15 : memref<!tpu.dma_semaphore, #tpu.memory_space<semaphore_mem>>)
      %dma_start3A_43 = arith.constant 1 : i32
      %dma_start3A_44 = arith.constant 0 : i32
      %dma_start3A_45 = tpu.memref_slice %arg7[%dma_start3A_43, %add3A_35, %dma_start3A_44] : memref<3x28x112xi32, #tpu.memory_space<vmem>> -> memref<1x1x112xi32, #tpu.memory_space<vmem>>
      %dma_start3A_46 = tpu.memref_squeeze %dma_start3A_45 : memref<1x1x112xi32, #tpu.memory_space<vmem>> -> memref<112xi32, #tpu.memory_space<vmem>>
      %dma_start3A_47 = arith.constant 0 : i32
      %dma_start3A_48 = arith.constant 0 : i32
      %dma_start3A_49 = tpu.memref_slice %arg2[%dma_start3A_47, %dma_start3A_48] : memref<100352x16xf32, #tpu.memory_space<hbm>> -> memref<100352x16xf32, #tpu.memory_space<hbm>>
      tpu.enqueue_indirect_dma source(%dma_start3A_49 : memref<100352x16xf32, #tpu.memory_space<hbm>>) target(%arg12 : memref<112x16xf32, #tpu.memory_space<vmem>>) offsets(%dma_start3A_46 : memref<112xi32, #tpu.memory_space<vmem>>) semaphore(%arg15 : memref<!tpu.dma_semaphore, #tpu.memory_space<semaphore_mem>>)
      %dma_start3A_50 = arith.constant 2 : i32
      %dma_start3A_51 = arith.constant 0 : i32
      %dma_start3A_52 = tpu.memref_slice %arg7[%dma_start3A_50, %add3A_35, %dma_start3A_51] : memref<3x28x112xi32, #tpu.memory_space<vmem>> -> memref<1x1x112xi32, #tpu.memory_space<vmem>>
      %dma_start3A_53 = tpu.memref_squeeze %dma_start3A_52 : memref<1x1x112xi32, #tpu.memory_space<vmem>> -> memref<112xi32, #tpu.memory_space<vmem>>
      %dma_start3A_54 = arith.constant 0 : i32
      %dma_start3A_55 = arith.constant 0 : i32
      %dma_start3A_56 = tpu.memref_slice %arg2[%dma_start3A_54, %dma_start3A_55] : memref<100352x16xf32, #tpu.memory_space<hbm>> -> memref<100352x16xf32, #tpu.memory_space<hbm>>
      tpu.enqueue_indirect_dma source(%dma_start3A_56 : memref<100352x16xf32, #tpu.memory_space<hbm>>) target(%arg13 : memref<112x16xf32, #tpu.memory_space<vmem>>) offsets(%dma_start3A_53 : memref<112xi32, #tpu.memory_space<vmem>>) semaphore(%arg15 : memref<!tpu.dma_semaphore, #tpu.memory_space<semaphore_mem>>)
      %mul3A_57 = arith.constant 112 : i32
      %mul3A_58 = arith.muli %mul3A_33, %mul3A_57 : i32
      %add3A_59 = arith.addi %multiple_of3A, %mul3A_58 : i32
      %multiple_of3A_60 = tpu.assume_multiple %add3A_59, 112 : i32
      %dma_wait3A = arith.constant 0 : i32
      %dma_wait3A_61 = arith.constant 0 : i32
      %dma_wait3A_62 = tpu.memref_slice %arg7[%dma_wait3A, %mul3A_33, %dma_wait3A_61] : memref<3x28x112xi32, #tpu.memory_space<vmem>> -> memref<1x1x112xi32, #tpu.memory_space<vmem>>
      %dma_wait3A_63 = tpu.memref_squeeze %dma_wait3A_62 : memref<1x1x112xi32, #tpu.memory_space<vmem>> -> memref<112xi32, #tpu.memory_space<vmem>>
      %dma_wait3A_64 = arith.constant 0 : i32
      %dma_wait3A_65 = arith.constant 0 : i32
      %dma_wait3A_66 = tpu.memref_slice %arg2[%dma_wait3A_64, %dma_wait3A_65] : memref<100352x16xf32, #tpu.memory_space<hbm>> -> memref<100352x16xf32, #tpu.memory_space<hbm>>
      tpu.wait_indirect_dma semaphore(%arg14 : memref<!tpu.dma_semaphore, #tpu.memory_space<semaphore_mem>>) src(%dma_wait3A_66 : memref<100352x16xf32, #tpu.memory_space<hbm>>) dst(%arg8 : memref<112x16xf32, #tpu.memory_space<vmem>>)
      "tpu.region"() ({
        %run_scoped3A = tpu.sem_alloc : memref<!tpu.dma_semaphore, #tpu.memory_space<semaphore_mem>>
        %dma_start3A_112 = arith.constant 0 : i32
        %dma_start3A_113 = tpu.memref_slice %arg4[%multiple_of3A_60, %dma_start3A_112] : memref<100352x16xf32, #tpu.memory_space<hbm>> -> memref<112x16xf32, #tpu.memory_space<hbm>>
        %dma_start3A_114 = arith.constant 0 : i32
        %dma_start3A_115 = tpu.memref_slice %arg4[%multiple_of3A_60, %dma_start3A_114] : memref<100352x16xf32, #tpu.memory_space<hbm>> -> memref<112x16xf32, #tpu.memory_space<hbm>>
        tpu.enqueue_dma source(%arg8 : memref<112x16xf32, #tpu.memory_space<vmem>>) target(%dma_start3A_115 : memref<112x16xf32, #tpu.memory_space<hbm>>) target_semaphore(%run_scoped3A : memref<!tpu.dma_semaphore, #tpu.memory_space<semaphore_mem>>)
        %dma_wait3A_116 = arith.constant 0 : i32
        %dma_wait3A_117 = tpu.memref_slice %arg4[%multiple_of3A_60, %dma_wait3A_116] : memref<100352x16xf32, #tpu.memory_space<hbm>> -> memref<112x16xf32, #tpu.memory_space<hbm>>
        %dma_wait3A_118 = arith.constant 0 : i32
        %dma_wait3A_119 = tpu.memref_slice %arg4[%multiple_of3A_60, %dma_wait3A_118] : memref<100352x16xf32, #tpu.memory_space<hbm>> -> memref<112x16xf32, #tpu.memory_space<hbm>>
        tpu.wait_dma2 semaphore(%run_scoped3A : memref<!tpu.dma_semaphore, #tpu.memory_space<semaphore_mem>>) src(%arg8 : memref<112x16xf32, #tpu.memory_space<vmem>>) dst(%dma_wait3A_119 : memref<112x16xf32, #tpu.memory_space<hbm>>)
        tpu.yield
      }) : () -> ()
      %dma_wait3A_67 = arith.constant 1 : i32
      %dma_wait3A_68 = arith.constant 0 : i32
      %dma_wait3A_69 = tpu.memref_slice %arg7[%dma_wait3A_67, %mul3A_33, %dma_wait3A_68] : memref<3x28x112xi32, #tpu.memory_space<vmem>> -> memref<1x1x112xi32, #tpu.memory_space<vmem>>
      %dma_wait3A_70 = tpu.memref_squeeze %dma_wait3A_69 : memref<1x1x112xi32, #tpu.memory_space<vmem>> -> memref<112xi32, #tpu.memory_space<vmem>>
      %dma_wait3A_71 = arith.constant 0 : i32
      %dma_wait3A_72 = arith.constant 0 : i32
      %dma_wait3A_73 = tpu.memref_slice %arg2[%dma_wait3A_71, %dma_wait3A_72] : memref<100352x16xf32, #tpu.memory_space<hbm>> -> memref<100352x16xf32, #tpu.memory_space<hbm>>
      tpu.wait_indirect_dma semaphore(%arg14 : memref<!tpu.dma_semaphore, #tpu.memory_space<semaphore_mem>>) src(%dma_wait3A_73 : memref<100352x16xf32, #tpu.memory_space<hbm>>) dst(%arg9 : memref<112x16xf32, #tpu.memory_space<vmem>>)
      "tpu.region"() ({
        %run_scoped3A = tpu.sem_alloc : memref<!tpu.dma_semaphore, #tpu.memory_space<semaphore_mem>>
        %dma_start3A_112 = arith.constant 0 : i32
        %dma_start3A_113 = tpu.memref_slice %arg5[%multiple_of3A_60, %dma_start3A_112] : memref<100352x16xf32, #tpu.memory_space<hbm>> -> memref<112x16xf32, #tpu.memory_space<hbm>>
        %dma_start3A_114 = arith.constant 0 : i32
        %dma_start3A_115 = tpu.memref_slice %arg5[%multiple_of3A_60, %dma_start3A_114] : memref<100352x16xf32, #tpu.memory_space<hbm>> -> memref<112x16xf32, #tpu.memory_space<hbm>>
        tpu.enqueue_dma source(%arg9 : memref<112x16xf32, #tpu.memory_space<vmem>>) target(%dma_start3A_115 : memref<112x16xf32, #tpu.memory_space<hbm>>) target_semaphore(%run_scoped3A : memref<!tpu.dma_semaphore, #tpu.memory_space<semaphore_mem>>)
        %dma_wait3A_116 = arith.constant 0 : i32
        %dma_wait3A_117 = tpu.memref_slice %arg5[%multiple_of3A_60, %dma_wait3A_116] : memref<100352x16xf32, #tpu.memory_space<hbm>> -> memref<112x16xf32, #tpu.memory_space<hbm>>
        %dma_wait3A_118 = arith.constant 0 : i32
        %dma_wait3A_119 = tpu.memref_slice %arg5[%multiple_of3A_60, %dma_wait3A_118] : memref<100352x16xf32, #tpu.memory_space<hbm>> -> memref<112x16xf32, #tpu.memory_space<hbm>>
        tpu.wait_dma2 semaphore(%run_scoped3A : memref<!tpu.dma_semaphore, #tpu.memory_space<semaphore_mem>>) src(%arg9 : memref<112x16xf32, #tpu.memory_space<vmem>>) dst(%dma_wait3A_119 : memref<112x16xf32, #tpu.memory_space<hbm>>)
        tpu.yield
      }) : () -> ()
      %dma_wait3A_74 = arith.constant 2 : i32
      %dma_wait3A_75 = arith.constant 0 : i32
      %dma_wait3A_76 = tpu.memref_slice %arg7[%dma_wait3A_74, %mul3A_33, %dma_wait3A_75] : memref<3x28x112xi32, #tpu.memory_space<vmem>> -> memref<1x1x112xi32, #tpu.memory_space<vmem>>
      %dma_wait3A_77 = tpu.memref_squeeze %dma_wait3A_76 : memref<1x1x112xi32, #tpu.memory_space<vmem>> -> memref<112xi32, #tpu.memory_space<vmem>>
      %dma_wait3A_78 = arith.constant 0 : i32
      %dma_wait3A_79 = arith.constant 0 : i32
      %dma_wait3A_80 = tpu.memref_slice %arg2[%dma_wait3A_78, %dma_wait3A_79] : memref<100352x16xf32, #tpu.memory_space<hbm>> -> memref<100352x16xf32, #tpu.memory_space<hbm>>
      tpu.wait_indirect_dma semaphore(%arg14 : memref<!tpu.dma_semaphore, #tpu.memory_space<semaphore_mem>>) src(%dma_wait3A_80 : memref<100352x16xf32, #tpu.memory_space<hbm>>) dst(%arg10 : memref<112x16xf32, #tpu.memory_space<vmem>>)
      "tpu.region"() ({
        %run_scoped3A = tpu.sem_alloc : memref<!tpu.dma_semaphore, #tpu.memory_space<semaphore_mem>>
        %dma_start3A_112 = arith.constant 0 : i32
        %dma_start3A_113 = tpu.memref_slice %arg6[%multiple_of3A_60, %dma_start3A_112] : memref<100352x16xf32, #tpu.memory_space<hbm>> -> memref<112x16xf32, #tpu.memory_space<hbm>>
        %dma_start3A_114 = arith.constant 0 : i32
        %dma_start3A_115 = tpu.memref_slice %arg6[%multiple_of3A_60, %dma_start3A_114] : memref<100352x16xf32, #tpu.memory_space<hbm>> -> memref<112x16xf32, #tpu.memory_space<hbm>>
        tpu.enqueue_dma source(%arg10 : memref<112x16xf32, #tpu.memory_space<vmem>>) target(%dma_start3A_115 : memref<112x16xf32, #tpu.memory_space<hbm>>) target_semaphore(%run_scoped3A : memref<!tpu.dma_semaphore, #tpu.memory_space<semaphore_mem>>)
        %dma_wait3A_116 = arith.constant 0 : i32
        %dma_wait3A_117 = tpu.memref_slice %arg6[%multiple_of3A_60, %dma_wait3A_116] : memref<100352x16xf32, #tpu.memory_space<hbm>> -> memref<112x16xf32, #tpu.memory_space<hbm>>
        %dma_wait3A_118 = arith.constant 0 : i32
        %dma_wait3A_119 = tpu.memref_slice %arg6[%multiple_of3A_60, %dma_wait3A_118] : memref<100352x16xf32, #tpu.memory_space<hbm>> -> memref<112x16xf32, #tpu.memory_space<hbm>>
        tpu.wait_dma2 semaphore(%run_scoped3A : memref<!tpu.dma_semaphore, #tpu.memory_space<semaphore_mem>>) src(%arg10 : memref<112x16xf32, #tpu.memory_space<vmem>>) dst(%dma_wait3A_119 : memref<112x16xf32, #tpu.memory_space<hbm>>)
        tpu.yield
      }) : () -> ()
      %add3A_81 = arith.constant 2 : i32
      %add3A_82 = arith.addi %mul3A_33, %add3A_81 : i32
      %lt3A = arith.constant 28 : i32
      %lt3A_83 = arith.cmpi slt, %add3A_82, %lt3A : i32
      %convert_element_type3A = arith.extui %lt3A_83 : i1 to i32
      %cond3A = arith.constant 0 : i32
      %cond3A_84 = arith.cmpi ne, %convert_element_type3A, %cond3A : i32
      scf.if %cond3A_84 {
        %add3A_112 = arith.constant 2 : i32
        %add3A_113 = arith.addi %mul3A_33, %add3A_112 : i32
        %dma_start3A_114 = arith.constant 0 : i32
        %dma_start3A_115 = arith.constant 0 : i32
        %dma_start3A_116 = tpu.memref_slice %arg7[%dma_start3A_114, %add3A_113, %dma_start3A_115] : memref<3x28x112xi32, #tpu.memory_space<vmem>> -> memref<1x1x112xi32, #tpu.memory_space<vmem>>
        %dma_start3A_117 = tpu.memref_squeeze %dma_start3A_116 : memref<1x1x112xi32, #tpu.memory_space<vmem>> -> memref<112xi32, #tpu.memory_space<vmem>>
        %dma_start3A_118 = arith.constant 0 : i32
        %dma_start3A_119 = arith.constant 0 : i32
        %dma_start3A_120 = tpu.memref_slice %arg2[%dma_start3A_118, %dma_start3A_119] : memref<100352x16xf32, #tpu.memory_space<hbm>> -> memref<100352x16xf32, #tpu.memory_space<hbm>>
        tpu.enqueue_indirect_dma source(%dma_start3A_120 : memref<100352x16xf32, #tpu.memory_space<hbm>>) target(%arg8 : memref<112x16xf32, #tpu.memory_space<vmem>>) offsets(%dma_start3A_117 : memref<112xi32, #tpu.memory_space<vmem>>) semaphore(%arg14 : memref<!tpu.dma_semaphore, #tpu.memory_space<semaphore_mem>>)
        %dma_start3A_121 = arith.constant 1 : i32
        %dma_start3A_122 = arith.constant 0 : i32
        %dma_start3A_123 = tpu.memref_slice %arg7[%dma_start3A_121, %add3A_113, %dma_start3A_122] : memref<3x28x112xi32, #tpu.memory_space<vmem>> -> memref<1x1x112xi32, #tpu.memory_space<vmem>>
        %dma_start3A_124 = tpu.memref_squeeze %dma_start3A_123 : memref<1x1x112xi32, #tpu.memory_space<vmem>> -> memref<112xi32, #tpu.memory_space<vmem>>
        %dma_start3A_125 = arith.constant 0 : i32
        %dma_start3A_126 = arith.constant 0 : i32
        %dma_start3A_127 = tpu.memref_slice %arg2[%dma_start3A_125, %dma_start3A_126] : memref<100352x16xf32, #tpu.memory_space<hbm>> -> memref<100352x16xf32, #tpu.memory_space<hbm>>
        tpu.enqueue_indirect_dma source(%dma_start3A_127 : memref<100352x16xf32, #tpu.memory_space<hbm>>) target(%arg9 : memref<112x16xf32, #tpu.memory_space<vmem>>) offsets(%dma_start3A_124 : memref<112xi32, #tpu.memory_space<vmem>>) semaphore(%arg14 : memref<!tpu.dma_semaphore, #tpu.memory_space<semaphore_mem>>)
        %dma_start3A_128 = arith.constant 2 : i32
        %dma_start3A_129 = arith.constant 0 : i32
        %dma_start3A_130 = tpu.memref_slice %arg7[%dma_start3A_128, %add3A_113, %dma_start3A_129] : memref<3x28x112xi32, #tpu.memory_space<vmem>> -> memref<1x1x112xi32, #tpu.memory_space<vmem>>
        %dma_start3A_131 = tpu.memref_squeeze %dma_start3A_130 : memref<1x1x112xi32, #tpu.memory_space<vmem>> -> memref<112xi32, #tpu.memory_space<vmem>>
        %dma_start3A_132 = arith.constant 0 : i32
        %dma_start3A_133 = arith.constant 0 : i32
        %dma_start3A_134 = tpu.memref_slice %arg2[%dma_start3A_132, %dma_start3A_133] : memref<100352x16xf32, #tpu.memory_space<hbm>> -> memref<100352x16xf32, #tpu.memory_space<hbm>>
        tpu.enqueue_indirect_dma source(%dma_start3A_134 : memref<100352x16xf32, #tpu.memory_space<hbm>>) target(%arg10 : memref<112x16xf32, #tpu.memory_space<vmem>>) offsets(%dma_start3A_131 : memref<112xi32, #tpu.memory_space<vmem>>) semaphore(%arg14 : memref<!tpu.dma_semaphore, #tpu.memory_space<semaphore_mem>>)
      } else {
      }
      %add3A_85 = arith.constant 1 : i32
      %add3A_86 = arith.addi %mul3A_33, %add3A_85 : i32
      %mul3A_87 = arith.constant 112 : i32
      %mul3A_88 = arith.muli %add3A_86, %mul3A_87 : i32
      %add3A_89 = arith.addi %multiple_of3A, %mul3A_88 : i32
      %multiple_of3A_90 = tpu.assume_multiple %add3A_89, 112 : i32
      %dma_wait3A_91 = arith.constant 0 : i32
      %dma_wait3A_92 = arith.constant 0 : i32
      %dma_wait3A_93 = tpu.memref_slice %arg7[%dma_wait3A_91, %add3A_86, %dma_wait3A_92] : memref<3x28x112xi32, #tpu.memory_space<vmem>> -> memref<1x1x112xi32, #tpu.memory_space<vmem>>
      %dma_wait3A_94 = tpu.memref_squeeze %dma_wait3A_93 : memref<1x1x112xi32, #tpu.memory_space<vmem>> -> memref<112xi32, #tpu.memory_space<vmem>>
      %dma_wait3A_95 = arith.constant 0 : i32
      %dma_wait3A_96 = arith.constant 0 : i32
      %dma_wait3A_97 = tpu.memref_slice %arg2[%dma_wait3A_95, %dma_wait3A_96] : memref<100352x16xf32, #tpu.memory_space<hbm>> -> memref<100352x16xf32, #tpu.memory_space<hbm>>
      tpu.wait_indirect_dma semaphore(%arg15 : memref<!tpu.dma_semaphore, #tpu.memory_space<semaphore_mem>>) src(%dma_wait3A_97 : memref<100352x16xf32, #tpu.memory_space<hbm>>) dst(%arg11 : memref<112x16xf32, #tpu.memory_space<vmem>>)
      "tpu.region"() ({
        %run_scoped3A = tpu.sem_alloc : memref<!tpu.dma_semaphore, #tpu.memory_space<semaphore_mem>>
        %dma_start3A_112 = arith.constant 0 : i32
        %dma_start3A_113 = tpu.memref_slice %arg4[%multiple_of3A_90, %dma_start3A_112] : memref<100352x16xf32, #tpu.memory_space<hbm>> -> memref<112x16xf32, #tpu.memory_space<hbm>>
        %dma_start3A_114 = arith.constant 0 : i32
        %dma_start3A_115 = tpu.memref_slice %arg4[%multiple_of3A_90, %dma_start3A_114] : memref<100352x16xf32, #tpu.memory_space<hbm>> -> memref<112x16xf32, #tpu.memory_space<hbm>>
        tpu.enqueue_dma source(%arg11 : memref<112x16xf32, #tpu.memory_space<vmem>>) target(%dma_start3A_115 : memref<112x16xf32, #tpu.memory_space<hbm>>) target_semaphore(%run_scoped3A : memref<!tpu.dma_semaphore, #tpu.memory_space<semaphore_mem>>)
        %dma_wait3A_116 = arith.constant 0 : i32
        %dma_wait3A_117 = tpu.memref_slice %arg4[%multiple_of3A_90, %dma_wait3A_116] : memref<100352x16xf32, #tpu.memory_space<hbm>> -> memref<112x16xf32, #tpu.memory_space<hbm>>
        %dma_wait3A_118 = arith.constant 0 : i32
        %dma_wait3A_119 = tpu.memref_slice %arg4[%multiple_of3A_90, %dma_wait3A_118] : memref<100352x16xf32, #tpu.memory_space<hbm>> -> memref<112x16xf32, #tpu.memory_space<hbm>>
        tpu.wait_dma2 semaphore(%run_scoped3A : memref<!tpu.dma_semaphore, #tpu.memory_space<semaphore_mem>>) src(%arg11 : memref<112x16xf32, #tpu.memory_space<vmem>>) dst(%dma_wait3A_119 : memref<112x16xf32, #tpu.memory_space<hbm>>)
        tpu.yield
      }) : () -> ()
      %dma_wait3A_98 = arith.constant 1 : i32
      %dma_wait3A_99 = arith.constant 0 : i32
      %dma_wait3A_100 = tpu.memref_slice %arg7[%dma_wait3A_98, %add3A_86, %dma_wait3A_99] : memref<3x28x112xi32, #tpu.memory_space<vmem>> -> memref<1x1x112xi32, #tpu.memory_space<vmem>>
      %dma_wait3A_101 = tpu.memref_squeeze %dma_wait3A_100 : memref<1x1x112xi32, #tpu.memory_space<vmem>> -> memref<112xi32, #tpu.memory_space<vmem>>
      %dma_wait3A_102 = arith.constant 0 : i32
      %dma_wait3A_103 = arith.constant 0 : i32
      %dma_wait3A_104 = tpu.memref_slice %arg2[%dma_wait3A_102, %dma_wait3A_103] : memref<100352x16xf32, #tpu.memory_space<hbm>> -> memref<100352x16xf32, #tpu.memory_space<hbm>>
      tpu.wait_indirect_dma semaphore(%arg15 : memref<!tpu.dma_semaphore, #tpu.memory_space<semaphore_mem>>) src(%dma_wait3A_104 : memref<100352x16xf32, #tpu.memory_space<hbm>>) dst(%arg12 : memref<112x16xf32, #tpu.memory_space<vmem>>)
      "tpu.region"() ({
        %run_scoped3A = tpu.sem_alloc : memref<!tpu.dma_semaphore, #tpu.memory_space<semaphore_mem>>
        %dma_start3A_112 = arith.constant 0 : i32
        %dma_start3A_113 = tpu.memref_slice %arg5[%multiple_of3A_90, %dma_start3A_112] : memref<100352x16xf32, #tpu.memory_space<hbm>> -> memref<112x16xf32, #tpu.memory_space<hbm>>
        %dma_start3A_114 = arith.constant 0 : i32
        %dma_start3A_115 = tpu.memref_slice %arg5[%multiple_of3A_90, %dma_start3A_114] : memref<100352x16xf32, #tpu.memory_space<hbm>> -> memref<112x16xf32, #tpu.memory_space<hbm>>
        tpu.enqueue_dma source(%arg12 : memref<112x16xf32, #tpu.memory_space<vmem>>) target(%dma_start3A_115 : memref<112x16xf32, #tpu.memory_space<hbm>>) target_semaphore(%run_scoped3A : memref<!tpu.dma_semaphore, #tpu.memory_space<semaphore_mem>>)
        %dma_wait3A_116 = arith.constant 0 : i32
        %dma_wait3A_117 = tpu.memref_slice %arg5[%multiple_of3A_90, %dma_wait3A_116] : memref<100352x16xf32, #tpu.memory_space<hbm>> -> memref<112x16xf32, #tpu.memory_space<hbm>>
        %dma_wait3A_118 = arith.constant 0 : i32
        %dma_wait3A_119 = tpu.memref_slice %arg5[%multiple_of3A_90, %dma_wait3A_118] : memref<100352x16xf32, #tpu.memory_space<hbm>> -> memref<112x16xf32, #tpu.memory_space<hbm>>
        tpu.wait_dma2 semaphore(%run_scoped3A : memref<!tpu.dma_semaphore, #tpu.memory_space<semaphore_mem>>) src(%arg12 : memref<112x16xf32, #tpu.memory_space<vmem>>) dst(%dma_wait3A_119 : memref<112x16xf32, #tpu.memory_space<hbm>>)
        tpu.yield
      }) : () -> ()
      %dma_wait3A_105 = arith.constant 2 : i32
      %dma_wait3A_106 = arith.constant 0 : i32
      %dma_wait3A_107 = tpu.memref_slice %arg7[%dma_wait3A_105, %add3A_86, %dma_wait3A_106] : memref<3x28x112xi32, #tpu.memory_space<vmem>> -> memref<1x1x112xi32, #tpu.memory_space<vmem>>
      %dma_wait3A_108 = tpu.memref_squeeze %dma_wait3A_107 : memref<1x1x112xi32, #tpu.memory_space<vmem>> -> memref<112xi32, #tpu.memory_space<vmem>>
      %dma_wait3A_109 = arith.constant 0 : i32
      %dma_wait3A_110 = arith.constant 0 : i32
      %dma_wait3A_111 = tpu.memref_slice %arg2[%dma_wait3A_109, %dma_wait3A_110] : memref<100352x16xf32, #tpu.memory_space<hbm>> -> memref<100352x16xf32, #tpu.memory_space<hbm>>
      tpu.wait_indirect_dma semaphore(%arg15 : memref<!tpu.dma_semaphore, #tpu.memory_space<semaphore_mem>>) src(%dma_wait3A_111 : memref<100352x16xf32, #tpu.memory_space<hbm>>) dst(%arg13 : memref<112x16xf32, #tpu.memory_space<vmem>>)
      "tpu.region"() ({
        %run_scoped3A = tpu.sem_alloc : memref<!tpu.dma_semaphore, #tpu.memory_space<semaphore_mem>>
        %dma_start3A_112 = arith.constant 0 : i32
        %dma_start3A_113 = tpu.memref_slice %arg6[%multiple_of3A_90, %dma_start3A_112] : memref<100352x16xf32, #tpu.memory_space<hbm>> -> memref<112x16xf32, #tpu.memory_space<hbm>>
        %dma_start3A_114 = arith.constant 0 : i32
        %dma_start3A_115 = tpu.memref_slice %arg6[%multiple_of3A_90, %dma_start3A_114] : memref<100352x16xf32, #tpu.memory_space<hbm>> -> memref<112x16xf32, #tpu.memory_space<hbm>>
        tpu.enqueue_dma source(%arg13 : memref<112x16xf32, #tpu.memory_space<vmem>>) target(%dma_start3A_115 : memref<112x16xf32, #tpu.memory_space<hbm>>) target_semaphore(%run_scoped3A : memref<!tpu.dma_semaphore, #tpu.memory_space<semaphore_mem>>)
        %dma_wait3A_116 = arith.constant 0 : i32
        %dma_wait3A_117 = tpu.memref_slice %arg6[%multiple_of3A_90, %dma_wait3A_116] : memref<100352x16xf32, #tpu.memory_space<hbm>> -> memref<112x16xf32, #tpu.memory_space<hbm>>
        %dma_wait3A_118 = arith.constant 0 : i32
        %dma_wait3A_119 = tpu.memref_slice %arg6[%multiple_of3A_90, %dma_wait3A_118] : memref<100352x16xf32, #tpu.memory_space<hbm>> -> memref<112x16xf32, #tpu.memory_space<hbm>>
        tpu.wait_dma2 semaphore(%run_scoped3A : memref<!tpu.dma_semaphore, #tpu.memory_space<semaphore_mem>>) src(%arg13 : memref<112x16xf32, #tpu.memory_space<vmem>>) dst(%dma_wait3A_119 : memref<112x16xf32, #tpu.memory_space<hbm>>)
        tpu.yield
      }) : () -> ()
    }
    %scan3A_30 = arith.constant 14 : i32
    return
  }
}

module attributes {stable_mosaic.version = 14 : i64} {
  func.func @_proj_body(%arg0: i32, %arg1: memref<3136x128xf32, #tpu.memory_space<vmem>>, %arg2: memref<256x128xf32, #tpu.memory_space<vmem>>, %arg3: memref<1x128xf32, #tpu.memory_space<vmem>>, %arg4: memref<392x128xf32, #tpu.memory_space<vmem>>, %arg5: memref<392x128xf32, #tpu.memory_space<vmem>>, %arg6: memref<392x128xf32, #tpu.memory_space<vmem>>, %arg7: memref<392x128xf32, #tpu.memory_space<vmem>>) attributes {dimension_semantics = [#tpu.dimension_semantics<arbitrary>], iteration_bounds = array<i64: 32>, scalar_prefetch = 0 : i64, scratch_operands = 0 : i64, tpu.core_type = #tpu.core_type<tc>, window_params = [{transform_indices = @transform_0, window_bounds = array<i64: 3136, 128>}, {pipeline_mode = #tpu.pipeline_mode<synchronous>, transform_indices = @transform_1, window_bounds = array<i64: 256, 128>}, {pipeline_mode = #tpu.pipeline_mode<synchronous>, transform_indices = @transform_2, window_bounds = array<i64: 1, 128>}, {transform_indices = @transform_3, window_bounds = array<i64: 392, 128>}, {transform_indices = @transform_4, window_bounds = array<i64: 392, 128>}, {transform_indices = @transform_5, window_bounds = array<i64: 392, 128>}, {transform_indices = @transform_6, window_bounds = array<i64: 392, 128>}]} {
    %get3A = arith.constant 0 : index
    %get3A_0 = arith.constant 0 : index
    %get3A_1 = vector.load %arg2[%get3A, %get3A_0] : memref<256x128xf32, #tpu.memory_space<vmem>>, vector<256x128xf32>
    %get3A_2 = arith.constant 0 : index
    %get3A_3 = arith.constant 0 : index
    %get3A_4 = vector.load %arg1[%get3A_2, %get3A_3] : memref<3136x128xf32, #tpu.memory_space<vmem>>, vector<3136x128xf32>
    %iota3A = tpu.iota {dimensions = array<i32: 0>} : vector<3136x1xi32>
    %mul3A = arith.constant 3136 : i32
    %mul3A_5 = arith.muli %mul3A, %arg0 : i32
    %sub3A = arith.constant 100000 : i32
    %sub3A_6 = arith.subi %sub3A, %mul3A_5 : i32
    %lt3A = vector.broadcast %sub3A_6 : i32 to vector<3136x1xi32>
    %lt3A_7 = arith.cmpi slt, %iota3A, %lt3A : vector<3136x1xi32>
    %jit3A = arith.constant 0.000000e+00 : f32
    %broadcast_in_dim3A = vector.shape_cast %lt3A_7 : vector<3136x1xi1> to vector<3136x1xi1>
    %broadcast_in_dim3A_8 = vector.broadcast %broadcast_in_dim3A : vector<3136x1xi1> to vector<3136x128xi1>
    %broadcast_in_dim3A_9 = vector.broadcast %jit3A : f32 to vector<3136x128xf32>
    %select_n3A = arith.select %broadcast_in_dim3A_8, %get3A_4, %broadcast_in_dim3A_9 : vector<3136x128xi1>, vector<3136x128xf32>
    %slice3A = vector.extract_strided_slice %select_n3A {offsets = [0, 0], sizes = [392, 128], strides = [1, 1]} : vector<3136x128xf32> to vector<392x128xf32>
    %slice3A_10 = vector.extract_strided_slice %select_n3A {offsets = [392, 0], sizes = [392, 128], strides = [1, 1]} : vector<3136x128xf32> to vector<392x128xf32>
    %concatenate3A = tpu.concatenate %slice3A, %slice3A_10 in 1 : vector<392x128xf32>, vector<392x128xf32> -> vector<392x256xf32>
    %dot_general3A = arith.constant dense<0.000000e+00> : vector<392x128xf32>
    %dot_general3A_11 = tpu.matmul %concatenate3A, %get3A_1, %dot_general3A {dimension_numbers = #tpu.dot_dimension_numbers<[1], [0], [0], [1], [0, 0, 1, 1], [], []>, transpose_lhs_hint = false} : vector<392x256xf32>, vector<256x128xf32>, vector<392x128xf32> -> vector<392x128xf32>
    %slice3A_12 = vector.extract_strided_slice %dot_general3A_11 {offsets = [0, 0], sizes = [392, 64], strides = [1, 1]} : vector<392x128xf32> to vector<392x64xf32>
    %slice3A_13 = vector.extract_strided_slice %dot_general3A_11 {offsets = [0, 64], sizes = [392, 64], strides = [1, 1]} : vector<392x128xf32> to vector<392x64xf32>
    %slice3A_14 = vector.extract_strided_slice %select_n3A {offsets = [784, 0], sizes = [392, 128], strides = [1, 1]} : vector<3136x128xf32> to vector<392x128xf32>
    %slice3A_15 = vector.extract_strided_slice %select_n3A {offsets = [1176, 0], sizes = [392, 128], strides = [1, 1]} : vector<3136x128xf32> to vector<392x128xf32>
    %concatenate3A_16 = tpu.concatenate %slice3A_14, %slice3A_15 in 1 : vector<392x128xf32>, vector<392x128xf32> -> vector<392x256xf32>
    %dot_general3A_17 = arith.constant dense<0.000000e+00> : vector<392x128xf32>
    %dot_general3A_18 = tpu.matmul %concatenate3A_16, %get3A_1, %dot_general3A_17 {dimension_numbers = #tpu.dot_dimension_numbers<[1], [0], [0], [1], [0, 0, 1, 1], [], []>, transpose_lhs_hint = false} : vector<392x256xf32>, vector<256x128xf32>, vector<392x128xf32> -> vector<392x128xf32>
    %slice3A_19 = vector.extract_strided_slice %dot_general3A_18 {offsets = [0, 0], sizes = [392, 64], strides = [1, 1]} : vector<392x128xf32> to vector<392x64xf32>
    %slice3A_20 = vector.extract_strided_slice %dot_general3A_18 {offsets = [0, 64], sizes = [392, 64], strides = [1, 1]} : vector<392x128xf32> to vector<392x64xf32>
    %slice3A_21 = vector.extract_strided_slice %select_n3A {offsets = [1568, 0], sizes = [392, 128], strides = [1, 1]} : vector<3136x128xf32> to vector<392x128xf32>
    %slice3A_22 = vector.extract_strided_slice %select_n3A {offsets = [1960, 0], sizes = [392, 128], strides = [1, 1]} : vector<3136x128xf32> to vector<392x128xf32>
    %concatenate3A_23 = tpu.concatenate %slice3A_21, %slice3A_22 in 1 : vector<392x128xf32>, vector<392x128xf32> -> vector<392x256xf32>
    %dot_general3A_24 = arith.constant dense<0.000000e+00> : vector<392x128xf32>
    %dot_general3A_25 = tpu.matmul %concatenate3A_23, %get3A_1, %dot_general3A_24 {dimension_numbers = #tpu.dot_dimension_numbers<[1], [0], [0], [1], [0, 0, 1, 1], [], []>, transpose_lhs_hint = false} : vector<392x256xf32>, vector<256x128xf32>, vector<392x128xf32> -> vector<392x128xf32>
    %slice3A_26 = vector.extract_strided_slice %dot_general3A_25 {offsets = [0, 0], sizes = [392, 64], strides = [1, 1]} : vector<392x128xf32> to vector<392x64xf32>
    %slice3A_27 = vector.extract_strided_slice %dot_general3A_25 {offsets = [0, 64], sizes = [392, 64], strides = [1, 1]} : vector<392x128xf32> to vector<392x64xf32>
    %slice3A_28 = vector.extract_strided_slice %select_n3A {offsets = [2352, 0], sizes = [392, 128], strides = [1, 1]} : vector<3136x128xf32> to vector<392x128xf32>
    %slice3A_29 = vector.extract_strided_slice %select_n3A {offsets = [2744, 0], sizes = [392, 128], strides = [1, 1]} : vector<3136x128xf32> to vector<392x128xf32>
    %concatenate3A_30 = tpu.concatenate %slice3A_28, %slice3A_29 in 1 : vector<392x128xf32>, vector<392x128xf32> -> vector<392x256xf32>
    %dot_general3A_31 = arith.constant dense<0.000000e+00> : vector<392x128xf32>
    %dot_general3A_32 = tpu.matmul %concatenate3A_30, %get3A_1, %dot_general3A_31 {dimension_numbers = #tpu.dot_dimension_numbers<[1], [0], [0], [1], [0, 0, 1, 1], [], []>, transpose_lhs_hint = false} : vector<392x256xf32>, vector<256x128xf32>, vector<392x128xf32> -> vector<392x128xf32>
    %slice3A_33 = vector.extract_strided_slice %dot_general3A_32 {offsets = [0, 0], sizes = [392, 64], strides = [1, 1]} : vector<392x128xf32> to vector<392x64xf32>
    %slice3A_34 = vector.extract_strided_slice %dot_general3A_32 {offsets = [0, 64], sizes = [392, 64], strides = [1, 1]} : vector<392x128xf32> to vector<392x64xf32>
    %slice3A_35 = vector.extract_strided_slice %slice3A_12 {offsets = [0, 0], sizes = [392, 16], strides = [1, 1]} : vector<392x64xf32> to vector<392x16xf32>
    %slice3A_36 = vector.extract_strided_slice %slice3A_13 {offsets = [0, 0], sizes = [392, 16], strides = [1, 1]} : vector<392x64xf32> to vector<392x16xf32>
    %slice3A_37 = vector.extract_strided_slice %slice3A_19 {offsets = [0, 0], sizes = [392, 16], strides = [1, 1]} : vector<392x64xf32> to vector<392x16xf32>
    %slice3A_38 = vector.extract_strided_slice %slice3A_20 {offsets = [0, 0], sizes = [392, 16], strides = [1, 1]} : vector<392x64xf32> to vector<392x16xf32>
    %slice3A_39 = vector.extract_strided_slice %slice3A_26 {offsets = [0, 0], sizes = [392, 16], strides = [1, 1]} : vector<392x64xf32> to vector<392x16xf32>
    %slice3A_40 = vector.extract_strided_slice %slice3A_27 {offsets = [0, 0], sizes = [392, 16], strides = [1, 1]} : vector<392x64xf32> to vector<392x16xf32>
    %slice3A_41 = vector.extract_strided_slice %slice3A_33 {offsets = [0, 0], sizes = [392, 16], strides = [1, 1]} : vector<392x64xf32> to vector<392x16xf32>
    %slice3A_42 = vector.extract_strided_slice %slice3A_34 {offsets = [0, 0], sizes = [392, 16], strides = [1, 1]} : vector<392x64xf32> to vector<392x16xf32>
    %concatenate3A_43 = tpu.concatenate %slice3A_35, %slice3A_36, %slice3A_37, %slice3A_38, %slice3A_39, %slice3A_40, %slice3A_41, %slice3A_42 in 1 : vector<392x16xf32>, vector<392x16xf32>, vector<392x16xf32>, vector<392x16xf32>, vector<392x16xf32>, vector<392x16xf32>, vector<392x16xf32>, vector<392x16xf32> -> vector<392x128xf32>
    %get3A_44 = arith.constant 0 : index
    %get3A_45 = arith.constant 0 : index
    %get3A_46 = vector.load %arg3[%get3A_44, %get3A_45] : memref<1x128xf32, #tpu.memory_space<vmem>>, vector<1x128xf32>
    %add3A = vector.broadcast %get3A_46 : vector<1x128xf32> to vector<392x128xf32>
    %add3A_47 = arith.addf %concatenate3A_43, %add3A : vector<392x128xf32>
    %swap3A = arith.constant 0 : index
    %swap3A_48 = arith.constant 0 : index
    %swap3A_49 = vector.load %arg4[%swap3A, %swap3A_48] : memref<392x128xf32, #tpu.memory_space<vmem>>, vector<392x128xf32>
    tpu.vector_store %arg4[%swap3A, %swap3A_48], %add3A_47 {strides = array<i32>} : memref<392x128xf32, #tpu.memory_space<vmem>>, vector<392x128xf32>,
    %slice3A_50 = vector.extract_strided_slice %slice3A_12 {offsets = [0, 16], sizes = [392, 16], strides = [1, 1]} : vector<392x64xf32> to vector<392x16xf32>
    %slice3A_51 = vector.extract_strided_slice %slice3A_13 {offsets = [0, 16], sizes = [392, 16], strides = [1, 1]} : vector<392x64xf32> to vector<392x16xf32>
    %slice3A_52 = vector.extract_strided_slice %slice3A_19 {offsets = [0, 16], sizes = [392, 16], strides = [1, 1]} : vector<392x64xf32> to vector<392x16xf32>
    %slice3A_53 = vector.extract_strided_slice %slice3A_20 {offsets = [0, 16], sizes = [392, 16], strides = [1, 1]} : vector<392x64xf32> to vector<392x16xf32>
    %slice3A_54 = vector.extract_strided_slice %slice3A_26 {offsets = [0, 16], sizes = [392, 16], strides = [1, 1]} : vector<392x64xf32> to vector<392x16xf32>
    %slice3A_55 = vector.extract_strided_slice %slice3A_27 {offsets = [0, 16], sizes = [392, 16], strides = [1, 1]} : vector<392x64xf32> to vector<392x16xf32>
    %slice3A_56 = vector.extract_strided_slice %slice3A_33 {offsets = [0, 16], sizes = [392, 16], strides = [1, 1]} : vector<392x64xf32> to vector<392x16xf32>
    %slice3A_57 = vector.extract_strided_slice %slice3A_34 {offsets = [0, 16], sizes = [392, 16], strides = [1, 1]} : vector<392x64xf32> to vector<392x16xf32>
    %concatenate3A_58 = tpu.concatenate %slice3A_50, %slice3A_51, %slice3A_52, %slice3A_53, %slice3A_54, %slice3A_55, %slice3A_56, %slice3A_57 in 1 : vector<392x16xf32>, vector<392x16xf32>, vector<392x16xf32>, vector<392x16xf32>, vector<392x16xf32>, vector<392x16xf32>, vector<392x16xf32>, vector<392x16xf32> -> vector<392x128xf32>
    %swap3A_59 = arith.constant 0 : index
    %swap3A_60 = arith.constant 0 : index
    %swap3A_61 = vector.load %arg5[%swap3A_59, %swap3A_60] : memref<392x128xf32, #tpu.memory_space<vmem>>, vector<392x128xf32>
    tpu.vector_store %arg5[%swap3A_59, %swap3A_60], %concatenate3A_58 {strides = array<i32>} : memref<392x128xf32, #tpu.memory_space<vmem>>, vector<392x128xf32>,
    %slice3A_62 = vector.extract_strided_slice %slice3A_12 {offsets = [0, 32], sizes = [392, 16], strides = [1, 1]} : vector<392x64xf32> to vector<392x16xf32>
    %slice3A_63 = vector.extract_strided_slice %slice3A_13 {offsets = [0, 32], sizes = [392, 16], strides = [1, 1]} : vector<392x64xf32> to vector<392x16xf32>
    %slice3A_64 = vector.extract_strided_slice %slice3A_19 {offsets = [0, 32], sizes = [392, 16], strides = [1, 1]} : vector<392x64xf32> to vector<392x16xf32>
    %slice3A_65 = vector.extract_strided_slice %slice3A_20 {offsets = [0, 32], sizes = [392, 16], strides = [1, 1]} : vector<392x64xf32> to vector<392x16xf32>
    %slice3A_66 = vector.extract_strided_slice %slice3A_26 {offsets = [0, 32], sizes = [392, 16], strides = [1, 1]} : vector<392x64xf32> to vector<392x16xf32>
    %slice3A_67 = vector.extract_strided_slice %slice3A_27 {offsets = [0, 32], sizes = [392, 16], strides = [1, 1]} : vector<392x64xf32> to vector<392x16xf32>
    %slice3A_68 = vector.extract_strided_slice %slice3A_33 {offsets = [0, 32], sizes = [392, 16], strides = [1, 1]} : vector<392x64xf32> to vector<392x16xf32>
    %slice3A_69 = vector.extract_strided_slice %slice3A_34 {offsets = [0, 32], sizes = [392, 16], strides = [1, 1]} : vector<392x64xf32> to vector<392x16xf32>
    %concatenate3A_70 = tpu.concatenate %slice3A_62, %slice3A_63, %slice3A_64, %slice3A_65, %slice3A_66, %slice3A_67, %slice3A_68, %slice3A_69 in 1 : vector<392x16xf32>, vector<392x16xf32>, vector<392x16xf32>, vector<392x16xf32>, vector<392x16xf32>, vector<392x16xf32>, vector<392x16xf32>, vector<392x16xf32> -> vector<392x128xf32>
    %swap3A_71 = arith.constant 0 : index
    %swap3A_72 = arith.constant 0 : index
    %swap3A_73 = vector.load %arg6[%swap3A_71, %swap3A_72] : memref<392x128xf32, #tpu.memory_space<vmem>>, vector<392x128xf32>
    tpu.vector_store %arg6[%swap3A_71, %swap3A_72], %concatenate3A_70 {strides = array<i32>} : memref<392x128xf32, #tpu.memory_space<vmem>>, vector<392x128xf32>,
    %slice3A_74 = vector.extract_strided_slice %slice3A_12 {offsets = [0, 48], sizes = [392, 16], strides = [1, 1]} : vector<392x64xf32> to vector<392x16xf32>
    %slice3A_75 = vector.extract_strided_slice %slice3A_13 {offsets = [0, 48], sizes = [392, 16], strides = [1, 1]} : vector<392x64xf32> to vector<392x16xf32>
    %slice3A_76 = vector.extract_strided_slice %slice3A_19 {offsets = [0, 48], sizes = [392, 16], strides = [1, 1]} : vector<392x64xf32> to vector<392x16xf32>
    %slice3A_77 = vector.extract_strided_slice %slice3A_20 {offsets = [0, 48], sizes = [392, 16], strides = [1, 1]} : vector<392x64xf32> to vector<392x16xf32>
    %slice3A_78 = vector.extract_strided_slice %slice3A_26 {offsets = [0, 48], sizes = [392, 16], strides = [1, 1]} : vector<392x64xf32> to vector<392x16xf32>
    %slice3A_79 = vector.extract_strided_slice %slice3A_27 {offsets = [0, 48], sizes = [392, 16], strides = [1, 1]} : vector<392x64xf32> to vector<392x16xf32>
    %slice3A_80 = vector.extract_strided_slice %slice3A_33 {offsets = [0, 48], sizes = [392, 16], strides = [1, 1]} : vector<392x64xf32> to vector<392x16xf32>
    %slice3A_81 = vector.extract_strided_slice %slice3A_34 {offsets = [0, 48], sizes = [392, 16], strides = [1, 1]} : vector<392x64xf32> to vector<392x16xf32>
    %concatenate3A_82 = tpu.concatenate %slice3A_74, %slice3A_75, %slice3A_76, %slice3A_77, %slice3A_78, %slice3A_79, %slice3A_80, %slice3A_81 in 1 : vector<392x16xf32>, vector<392x16xf32>, vector<392x16xf32>, vector<392x16xf32>, vector<392x16xf32>, vector<392x16xf32>, vector<392x16xf32>, vector<392x16xf32> -> vector<392x128xf32>
    %swap3A_83 = arith.constant 0 : index
    %swap3A_84 = arith.constant 0 : index
    %swap3A_85 = vector.load %arg7[%swap3A_83, %swap3A_84] : memref<392x128xf32, #tpu.memory_space<vmem>>, vector<392x128xf32>
    tpu.vector_store %arg7[%swap3A_83, %swap3A_84], %concatenate3A_82 {strides = array<i32>} : memref<392x128xf32, #tpu.memory_space<vmem>>, vector<392x128xf32>,
    return
  }
  func.func @transform_0(%arg0: i32) -> (i32, i32) {
    %c0_i32 = arith.constant 0 : i32
    %c0_i32_0 = arith.constant 0 : i32
    return %arg0, %c0_i32 : i32, i32
  }
  func.func @transform_1(%arg0: i32) -> (i32, i32) {
    %c0_i32 = arith.constant 0 : i32
    %c0_i32_0 = arith.constant 0 : i32
    %c0_i32_1 = arith.constant 0 : i32
    return %c0_i32, %c0_i32_0 : i32, i32
  }
  func.func @transform_2(%arg0: i32) -> (i32, i32) {
    %c0_i32 = arith.constant 0 : i32
    %c0_i32_0 = arith.constant 0 : i32
    %c0_i32_1 = arith.constant 0 : i32
    return %c0_i32, %c0_i32_0 : i32, i32
  }
  func.func @transform_3(%arg0: i32) -> (i32, i32) {
    %c0_i32 = arith.constant 0 : i32
    %c0_i32_0 = arith.constant 0 : i32
    return %arg0, %c0_i32 : i32, i32
  }
  func.func @transform_4(%arg0: i32) -> (i32, i32) {
    %c0_i32 = arith.constant 0 : i32
    %c0_i32_0 = arith.constant 0 : i32
    return %arg0, %c0_i32 : i32, i32
  }
  func.func @transform_5(%arg0: i32) -> (i32, i32) {
    %c0_i32 = arith.constant 0 : i32
    %c0_i32_0 = arith.constant 0 : i32
    return %arg0, %c0_i32 : i32, i32
  }
  func.func @transform_6(%arg0: i32) -> (i32, i32) {
    %c0_i32 = arith.constant 0 : i32
    %c0_i32_0 = arith.constant 0 : i32
    return %arg0, %c0_i32 : i32, i32
  }
}

module attributes {stable_mosaic.version = 14 : i64} {
  func.func @_final_body(%arg0: i32, %arg1: memref<6272x128xf32, #tpu.memory_space<vmem>>, %arg2: memref<784x128xf32, #tpu.memory_space<vmem>>, %arg3: memref<784x128xf32, #tpu.memory_space<vmem>>, %arg4: memref<784x128xf32, #tpu.memory_space<vmem>>, %arg5: memref<784x128xf32, #tpu.memory_space<vmem>>, %arg6: memref<128x128xf32, #tpu.memory_space<vmem>>, %arg7: memref<128x128xf32, #tpu.memory_space<vmem>>, %arg8: memref<128x128xf32, #tpu.memory_space<vmem>>, %arg9: memref<128x128xf32, #tpu.memory_space<vmem>>, %arg10: memref<6272x128xf32, #tpu.memory_space<vmem>>) attributes {dimension_semantics = [#tpu.dimension_semantics<arbitrary>], iteration_bounds = array<i64: 16>, scalar_prefetch = 0 : i64, scratch_operands = 0 : i64, tpu.core_type = #tpu.core_type<tc>, window_params = [{transform_indices = @transform_0, window_bounds = array<i64: 6272, 128>}, {transform_indices = @transform_1, window_bounds = array<i64: 784, 128>}, {transform_indices = @transform_2, window_bounds = array<i64: 784, 128>}, {transform_indices = @transform_3, window_bounds = array<i64: 784, 128>}, {transform_indices = @transform_4, window_bounds = array<i64: 784, 128>}, {pipeline_mode = #tpu.pipeline_mode<synchronous>, transform_indices = @transform_5, window_bounds = array<i64: 128, 128>}, {pipeline_mode = #tpu.pipeline_mode<synchronous>, transform_indices = @transform_6, window_bounds = array<i64: 128, 128>}, {pipeline_mode = #tpu.pipeline_mode<synchronous>, transform_indices = @transform_7, window_bounds = array<i64: 128, 128>}, {pipeline_mode = #tpu.pipeline_mode<synchronous>, transform_indices = @transform_8, window_bounds = array<i64: 128, 128>}, {transform_indices = @transform_9, window_bounds = array<i64: 6272, 128>}]} {
    %get3A = arith.constant 0 : index
    %get3A_0 = arith.constant 0 : index
    %get3A_1 = vector.load %arg2[%get3A, %get3A_0] : memref<784x128xf32, #tpu.memory_space<vmem>>, vector<784x128xf32>
    %mul3A = arith.constant 2.000000e+00 : f32
    %mul3A_2 = vector.broadcast %mul3A : f32 to vector<784x128xf32>
    %mul3A_3 = arith.mulf %mul3A_2, %get3A_1 : vector<784x128xf32>
    %get3A_4 = arith.constant 0 : index
    %get3A_5 = arith.constant 0 : index
    %get3A_6 = vector.load %arg6[%get3A_4, %get3A_5] : memref<128x128xf32, #tpu.memory_space<vmem>>, vector<128x128xf32>
    %dot_general3A = arith.constant dense<0.000000e+00> : vector<784x128xf32>
    %dot_general3A_7 = tpu.matmul %get3A_1, %get3A_6, %dot_general3A {dimension_numbers = #tpu.dot_dimension_numbers<[1], [0], [0], [1], [0, 0, 1, 1], [], []>, transpose_lhs_hint = false} : vector<784x128xf32>, vector<128x128xf32>, vector<784x128xf32> -> vector<784x128xf32>
    %add3A = arith.addf %mul3A_3, %dot_general3A_7 : vector<784x128xf32>
    %get3A_8 = arith.constant 0 : index
    %get3A_9 = arith.constant 0 : index
    %get3A_10 = vector.load %arg3[%get3A_8, %get3A_9] : memref<784x128xf32, #tpu.memory_space<vmem>>, vector<784x128xf32>
    %get3A_11 = arith.constant 0 : index
    %get3A_12 = arith.constant 0 : index
    %get3A_13 = vector.load %arg7[%get3A_11, %get3A_12] : memref<128x128xf32, #tpu.memory_space<vmem>>, vector<128x128xf32>
    %dot_general3A_14 = arith.constant dense<0.000000e+00> : vector<784x128xf32>
    %dot_general3A_15 = tpu.matmul %get3A_10, %get3A_13, %dot_general3A_14 {dimension_numbers = #tpu.dot_dimension_numbers<[1], [0], [0], [1], [0, 0, 1, 1], [], []>, transpose_lhs_hint = false} : vector<784x128xf32>, vector<128x128xf32>, vector<784x128xf32> -> vector<784x128xf32>
    %add3A_16 = arith.addf %add3A, %dot_general3A_15 : vector<784x128xf32>
    %get3A_17 = arith.constant 0 : index
    %get3A_18 = arith.constant 0 : index
    %get3A_19 = vector.load %arg4[%get3A_17, %get3A_18] : memref<784x128xf32, #tpu.memory_space<vmem>>, vector<784x128xf32>
    %get3A_20 = arith.constant 0 : index
    %get3A_21 = arith.constant 0 : index
    %get3A_22 = vector.load %arg8[%get3A_20, %get3A_21] : memref<128x128xf32, #tpu.memory_space<vmem>>, vector<128x128xf32>
    %dot_general3A_23 = arith.constant dense<0.000000e+00> : vector<784x128xf32>
    %dot_general3A_24 = tpu.matmul %get3A_19, %get3A_22, %dot_general3A_23 {dimension_numbers = #tpu.dot_dimension_numbers<[1], [0], [0], [1], [0, 0, 1, 1], [], []>, transpose_lhs_hint = false} : vector<784x128xf32>, vector<128x128xf32>, vector<784x128xf32> -> vector<784x128xf32>
    %add3A_25 = arith.addf %add3A_16, %dot_general3A_24 : vector<784x128xf32>
    %get3A_26 = arith.constant 0 : index
    %get3A_27 = arith.constant 0 : index
    %get3A_28 = vector.load %arg5[%get3A_26, %get3A_27] : memref<784x128xf32, #tpu.memory_space<vmem>>, vector<784x128xf32>
    %get3A_29 = arith.constant 0 : index
    %get3A_30 = arith.constant 0 : index
    %get3A_31 = vector.load %arg9[%get3A_29, %get3A_30] : memref<128x128xf32, #tpu.memory_space<vmem>>, vector<128x128xf32>
    %dot_general3A_32 = arith.constant dense<0.000000e+00> : vector<784x128xf32>
    %dot_general3A_33 = tpu.matmul %get3A_28, %get3A_31, %dot_general3A_32 {dimension_numbers = #tpu.dot_dimension_numbers<[1], [0], [0], [1], [0, 0, 1, 1], [], []>, transpose_lhs_hint = false} : vector<784x128xf32>, vector<128x128xf32>, vector<784x128xf32> -> vector<784x128xf32>
    %add3A_34 = arith.addf %add3A_25, %dot_general3A_33 : vector<784x128xf32>
    %get3A_35 = arith.constant 0 : index
    %get3A_36 = arith.constant 0 : index
    %get3A_37 = vector.load %arg1[%get3A_35, %get3A_36] : memref<6272x128xf32, #tpu.memory_space<vmem>>, vector<6272x128xf32>
    %slice3A = vector.extract_strided_slice %get3A_37 {offsets = [0, 0], sizes = [392, 128], strides = [1, 1]} : vector<6272x128xf32> to vector<392x128xf32>
    %slice3A_38 = vector.extract_strided_slice %add3A_34 {offsets = [0, 0], sizes = [392, 16], strides = [1, 1]} : vector<784x128xf32> to vector<392x16xf32>
    %slice3A_39 = vector.extract_strided_slice %slice3A {offsets = [0, 0], sizes = [392, 16], strides = [1, 1]} : vector<392x128xf32> to vector<392x16xf32>
    %add3A_40 = arith.addf %slice3A_39, %slice3A_38 : vector<392x16xf32>
    %slice3A_41 = vector.extract_strided_slice %slice3A {offsets = [0, 16], sizes = [392, 112], strides = [1, 1]} : vector<392x128xf32> to vector<392x112xf32>
    %concatenate3A = tpu.concatenate %add3A_40, %slice3A_41 in 1 : vector<392x16xf32>, vector<392x112xf32> -> vector<392x128xf32>
    %slice3A_42 = vector.extract_strided_slice %get3A_37 {offsets = [392, 0], sizes = [392, 128], strides = [1, 1]} : vector<6272x128xf32> to vector<392x128xf32>
    %slice3A_43 = vector.extract_strided_slice %add3A_34 {offsets = [0, 16], sizes = [392, 16], strides = [1, 1]} : vector<784x128xf32> to vector<392x16xf32>
    %slice3A_44 = vector.extract_strided_slice %slice3A_42 {offsets = [0, 0], sizes = [392, 16], strides = [1, 1]} : vector<392x128xf32> to vector<392x16xf32>
    %add3A_45 = arith.addf %slice3A_44, %slice3A_43 : vector<392x16xf32>
    %slice3A_46 = vector.extract_strided_slice %slice3A_42 {offsets = [0, 16], sizes = [392, 112], strides = [1, 1]} : vector<392x128xf32> to vector<392x112xf32>
    %concatenate3A_47 = tpu.concatenate %add3A_45, %slice3A_46 in 1 : vector<392x16xf32>, vector<392x112xf32> -> vector<392x128xf32>
    %slice3A_48 = vector.extract_strided_slice %get3A_37 {offsets = [784, 0], sizes = [392, 128], strides = [1, 1]} : vector<6272x128xf32> to vector<392x128xf32>
    %slice3A_49 = vector.extract_strided_slice %add3A_34 {offsets = [0, 32], sizes = [392, 16], strides = [1, 1]} : vector<784x128xf32> to vector<392x16xf32>
    %slice3A_50 = vector.extract_strided_slice %slice3A_48 {offsets = [0, 0], sizes = [392, 16], strides = [1, 1]} : vector<392x128xf32> to vector<392x16xf32>
    %add3A_51 = arith.addf %slice3A_50, %slice3A_49 : vector<392x16xf32>
    %slice3A_52 = vector.extract_strided_slice %slice3A_48 {offsets = [0, 16], sizes = [392, 112], strides = [1, 1]} : vector<392x128xf32> to vector<392x112xf32>
    %concatenate3A_53 = tpu.concatenate %add3A_51, %slice3A_52 in 1 : vector<392x16xf32>, vector<392x112xf32> -> vector<392x128xf32>
    %slice3A_54 = vector.extract_strided_slice %get3A_37 {offsets = [1176, 0], sizes = [392, 128], strides = [1, 1]} : vector<6272x128xf32> to vector<392x128xf32>
    %slice3A_55 = vector.extract_strided_slice %add3A_34 {offsets = [0, 48], sizes = [392, 16], strides = [1, 1]} : vector<784x128xf32> to vector<392x16xf32>
    %slice3A_56 = vector.extract_strided_slice %slice3A_54 {offsets = [0, 0], sizes = [392, 16], strides = [1, 1]} : vector<392x128xf32> to vector<392x16xf32>
    %add3A_57 = arith.addf %slice3A_56, %slice3A_55 : vector<392x16xf32>
    %slice3A_58 = vector.extract_strided_slice %slice3A_54 {offsets = [0, 16], sizes = [392, 112], strides = [1, 1]} : vector<392x128xf32> to vector<392x112xf32>
    %concatenate3A_59 = tpu.concatenate %add3A_57, %slice3A_58 in 1 : vector<392x16xf32>, vector<392x112xf32> -> vector<392x128xf32>
    %slice3A_60 = vector.extract_strided_slice %get3A_37 {offsets = [1568, 0], sizes = [392, 128], strides = [1, 1]} : vector<6272x128xf32> to vector<392x128xf32>
    %slice3A_61 = vector.extract_strided_slice %add3A_34 {offsets = [0, 64], sizes = [392, 16], strides = [1, 1]} : vector<784x128xf32> to vector<392x16xf32>
    %slice3A_62 = vector.extract_strided_slice %slice3A_60 {offsets = [0, 0], sizes = [392, 16], strides = [1, 1]} : vector<392x128xf32> to vector<392x16xf32>
    %add3A_63 = arith.addf %slice3A_62, %slice3A_61 : vector<392x16xf32>
    %slice3A_64 = vector.extract_strided_slice %slice3A_60 {offsets = [0, 16], sizes = [392, 112], strides = [1, 1]} : vector<392x128xf32> to vector<392x112xf32>
    %concatenate3A_65 = tpu.concatenate %add3A_63, %slice3A_64 in 1 : vector<392x16xf32>, vector<392x112xf32> -> vector<392x128xf32>
    %slice3A_66 = vector.extract_strided_slice %get3A_37 {offsets = [1960, 0], sizes = [392, 128], strides = [1, 1]} : vector<6272x128xf32> to vector<392x128xf32>
    %slice3A_67 = vector.extract_strided_slice %add3A_34 {offsets = [0, 80], sizes = [392, 16], strides = [1, 1]} : vector<784x128xf32> to vector<392x16xf32>
    %slice3A_68 = vector.extract_strided_slice %slice3A_66 {offsets = [0, 0], sizes = [392, 16], strides = [1, 1]} : vector<392x128xf32> to vector<392x16xf32>
    %add3A_69 = arith.addf %slice3A_68, %slice3A_67 : vector<392x16xf32>
    %slice3A_70 = vector.extract_strided_slice %slice3A_66 {offsets = [0, 16], sizes = [392, 112], strides = [1, 1]} : vector<392x128xf32> to vector<392x112xf32>
    %concatenate3A_71 = tpu.concatenate %add3A_69, %slice3A_70 in 1 : vector<392x16xf32>, vector<392x112xf32> -> vector<392x128xf32>
    %slice3A_72 = vector.extract_strided_slice %get3A_37 {offsets = [2352, 0], sizes = [392, 128], strides = [1, 1]} : vector<6272x128xf32> to vector<392x128xf32>
    %slice3A_73 = vector.extract_strided_slice %add3A_34 {offsets = [0, 96], sizes = [392, 16], strides = [1, 1]} : vector<784x128xf32> to vector<392x16xf32>
    %slice3A_74 = vector.extract_strided_slice %slice3A_72 {offsets = [0, 0], sizes = [392, 16], strides = [1, 1]} : vector<392x128xf32> to vector<392x16xf32>
    %add3A_75 = arith.addf %slice3A_74, %slice3A_73 : vector<392x16xf32>
    %slice3A_76 = vector.extract_strided_slice %slice3A_72 {offsets = [0, 16], sizes = [392, 112], strides = [1, 1]} : vector<392x128xf32> to vector<392x112xf32>
    %concatenate3A_77 = tpu.concatenate %add3A_75, %slice3A_76 in 1 : vector<392x16xf32>, vector<392x112xf32> -> vector<392x128xf32>
    %slice3A_78 = vector.extract_strided_slice %get3A_37 {offsets = [2744, 0], sizes = [392, 128], strides = [1, 1]} : vector<6272x128xf32> to vector<392x128xf32>
    %slice3A_79 = vector.extract_strided_slice %add3A_34 {offsets = [0, 112], sizes = [392, 16], strides = [1, 1]} : vector<784x128xf32> to vector<392x16xf32>
    %slice3A_80 = vector.extract_strided_slice %slice3A_78 {offsets = [0, 0], sizes = [392, 16], strides = [1, 1]} : vector<392x128xf32> to vector<392x16xf32>
    %add3A_81 = arith.addf %slice3A_80, %slice3A_79 : vector<392x16xf32>
    %slice3A_82 = vector.extract_strided_slice %slice3A_78 {offsets = [0, 16], sizes = [392, 112], strides = [1, 1]} : vector<392x128xf32> to vector<392x112xf32>
    %concatenate3A_83 = tpu.concatenate %add3A_81, %slice3A_82 in 1 : vector<392x16xf32>, vector<392x112xf32> -> vector<392x128xf32>
    %slice3A_84 = vector.extract_strided_slice %get3A_37 {offsets = [3136, 0], sizes = [392, 128], strides = [1, 1]} : vector<6272x128xf32> to vector<392x128xf32>
    %slice3A_85 = vector.extract_strided_slice %add3A_34 {offsets = [392, 0], sizes = [392, 16], strides = [1, 1]} : vector<784x128xf32> to vector<392x16xf32>
    %slice3A_86 = vector.extract_strided_slice %slice3A_84 {offsets = [0, 0], sizes = [392, 16], strides = [1, 1]} : vector<392x128xf32> to vector<392x16xf32>
    %add3A_87 = arith.addf %slice3A_86, %slice3A_85 : vector<392x16xf32>
    %slice3A_88 = vector.extract_strided_slice %slice3A_84 {offsets = [0, 16], sizes = [392, 112], strides = [1, 1]} : vector<392x128xf32> to vector<392x112xf32>
    %concatenate3A_89 = tpu.concatenate %add3A_87, %slice3A_88 in 1 : vector<392x16xf32>, vector<392x112xf32> -> vector<392x128xf32>
    %slice3A_90 = vector.extract_strided_slice %get3A_37 {offsets = [3528, 0], sizes = [392, 128], strides = [1, 1]} : vector<6272x128xf32> to vector<392x128xf32>
    %slice3A_91 = vector.extract_strided_slice %add3A_34 {offsets = [392, 16], sizes = [392, 16], strides = [1, 1]} : vector<784x128xf32> to vector<392x16xf32>
    %slice3A_92 = vector.extract_strided_slice %slice3A_90 {offsets = [0, 0], sizes = [392, 16], strides = [1, 1]} : vector<392x128xf32> to vector<392x16xf32>
    %add3A_93 = arith.addf %slice3A_92, %slice3A_91 : vector<392x16xf32>
    %slice3A_94 = vector.extract_strided_slice %slice3A_90 {offsets = [0, 16], sizes = [392, 112], strides = [1, 1]} : vector<392x128xf32> to vector<392x112xf32>
    %concatenate3A_95 = tpu.concatenate %add3A_93, %slice3A_94 in 1 : vector<392x16xf32>, vector<392x112xf32> -> vector<392x128xf32>
    %slice3A_96 = vector.extract_strided_slice %get3A_37 {offsets = [3920, 0], sizes = [392, 128], strides = [1, 1]} : vector<6272x128xf32> to vector<392x128xf32>
    %slice3A_97 = vector.extract_strided_slice %add3A_34 {offsets = [392, 32], sizes = [392, 16], strides = [1, 1]} : vector<784x128xf32> to vector<392x16xf32>
    %slice3A_98 = vector.extract_strided_slice %slice3A_96 {offsets = [0, 0], sizes = [392, 16], strides = [1, 1]} : vector<392x128xf32> to vector<392x16xf32>
    %add3A_99 = arith.addf %slice3A_98, %slice3A_97 : vector<392x16xf32>
    %slice3A_100 = vector.extract_strided_slice %slice3A_96 {offsets = [0, 16], sizes = [392, 112], strides = [1, 1]} : vector<392x128xf32> to vector<392x112xf32>
    %concatenate3A_101 = tpu.concatenate %add3A_99, %slice3A_100 in 1 : vector<392x16xf32>, vector<392x112xf32> -> vector<392x128xf32>
    %slice3A_102 = vector.extract_strided_slice %get3A_37 {offsets = [4312, 0], sizes = [392, 128], strides = [1, 1]} : vector<6272x128xf32> to vector<392x128xf32>
    %slice3A_103 = vector.extract_strided_slice %add3A_34 {offsets = [392, 48], sizes = [392, 16], strides = [1, 1]} : vector<784x128xf32> to vector<392x16xf32>
    %slice3A_104 = vector.extract_strided_slice %slice3A_102 {offsets = [0, 0], sizes = [392, 16], strides = [1, 1]} : vector<392x128xf32> to vector<392x16xf32>
    %add3A_105 = arith.addf %slice3A_104, %slice3A_103 : vector<392x16xf32>
    %slice3A_106 = vector.extract_strided_slice %slice3A_102 {offsets = [0, 16], sizes = [392, 112], strides = [1, 1]} : vector<392x128xf32> to vector<392x112xf32>
    %concatenate3A_107 = tpu.concatenate %add3A_105, %slice3A_106 in 1 : vector<392x16xf32>, vector<392x112xf32> -> vector<392x128xf32>
    %slice3A_108 = vector.extract_strided_slice %get3A_37 {offsets = [4704, 0], sizes = [392, 128], strides = [1, 1]} : vector<6272x128xf32> to vector<392x128xf32>
    %slice3A_109 = vector.extract_strided_slice %add3A_34 {offsets = [392, 64], sizes = [392, 16], strides = [1, 1]} : vector<784x128xf32> to vector<392x16xf32>
    %slice3A_110 = vector.extract_strided_slice %slice3A_108 {offsets = [0, 0], sizes = [392, 16], strides = [1, 1]} : vector<392x128xf32> to vector<392x16xf32>
    %add3A_111 = arith.addf %slice3A_110, %slice3A_109 : vector<392x16xf32>
    %slice3A_112 = vector.extract_strided_slice %slice3A_108 {offsets = [0, 16], sizes = [392, 112], strides = [1, 1]} : vector<392x128xf32> to vector<392x112xf32>
    %concatenate3A_113 = tpu.concatenate %add3A_111, %slice3A_112 in 1 : vector<392x16xf32>, vector<392x112xf32> -> vector<392x128xf32>
    %slice3A_114 = vector.extract_strided_slice %get3A_37 {offsets = [5096, 0], sizes = [392, 128], strides = [1, 1]} : vector<6272x128xf32> to vector<392x128xf32>
    %slice3A_115 = vector.extract_strided_slice %add3A_34 {offsets = [392, 80], sizes = [392, 16], strides = [1, 1]} : vector<784x128xf32> to vector<392x16xf32>
    %slice3A_116 = vector.extract_strided_slice %slice3A_114 {offsets = [0, 0], sizes = [392, 16], strides = [1, 1]} : vector<392x128xf32> to vector<392x16xf32>
    %add3A_117 = arith.addf %slice3A_116, %slice3A_115 : vector<392x16xf32>
    %slice3A_118 = vector.extract_strided_slice %slice3A_114 {offsets = [0, 16], sizes = [392, 112], strides = [1, 1]} : vector<392x128xf32> to vector<392x112xf32>
    %concatenate3A_119 = tpu.concatenate %add3A_117, %slice3A_118 in 1 : vector<392x16xf32>, vector<392x112xf32> -> vector<392x128xf32>
    %slice3A_120 = vector.extract_strided_slice %get3A_37 {offsets = [5488, 0], sizes = [392, 128], strides = [1, 1]} : vector<6272x128xf32> to vector<392x128xf32>
    %slice3A_121 = vector.extract_strided_slice %add3A_34 {offsets = [392, 96], sizes = [392, 16], strides = [1, 1]} : vector<784x128xf32> to vector<392x16xf32>
    %slice3A_122 = vector.extract_strided_slice %slice3A_120 {offsets = [0, 0], sizes = [392, 16], strides = [1, 1]} : vector<392x128xf32> to vector<392x16xf32>
    %add3A_123 = arith.addf %slice3A_122, %slice3A_121 : vector<392x16xf32>
    %slice3A_124 = vector.extract_strided_slice %slice3A_120 {offsets = [0, 16], sizes = [392, 112], strides = [1, 1]} : vector<392x128xf32> to vector<392x112xf32>
    %concatenate3A_125 = tpu.concatenate %add3A_123, %slice3A_124 in 1 : vector<392x16xf32>, vector<392x112xf32> -> vector<392x128xf32>
    %slice3A_126 = vector.extract_strided_slice %get3A_37 {offsets = [5880, 0], sizes = [392, 128], strides = [1, 1]} : vector<6272x128xf32> to vector<392x128xf32>
    %slice3A_127 = vector.extract_strided_slice %add3A_34 {offsets = [392, 112], sizes = [392, 16], strides = [1, 1]} : vector<784x128xf32> to vector<392x16xf32>
    %slice3A_128 = vector.extract_strided_slice %slice3A_126 {offsets = [0, 0], sizes = [392, 16], strides = [1, 1]} : vector<392x128xf32> to vector<392x16xf32>
    %add3A_129 = arith.addf %slice3A_128, %slice3A_127 : vector<392x16xf32>
    %slice3A_130 = vector.extract_strided_slice %slice3A_126 {offsets = [0, 16], sizes = [392, 112], strides = [1, 1]} : vector<392x128xf32> to vector<392x112xf32>
    %concatenate3A_131 = tpu.concatenate %add3A_129, %slice3A_130 in 1 : vector<392x16xf32>, vector<392x112xf32> -> vector<392x128xf32>
    %concatenate3A_132 = tpu.concatenate %concatenate3A, %concatenate3A_47, %concatenate3A_53, %concatenate3A_59, %concatenate3A_65, %concatenate3A_71, %concatenate3A_77, %concatenate3A_83, %concatenate3A_89, %concatenate3A_95, %concatenate3A_101, %concatenate3A_107, %concatenate3A_113, %concatenate3A_119, %concatenate3A_125, %concatenate3A_131 in 0 : vector<392x128xf32>, vector<392x128xf32>, vector<392x128xf32>, vector<392x128xf32>, vector<392x128xf32>, vector<392x128xf32>, vector<392x128xf32>, vector<392x128xf32>, vector<392x128xf32>, vector<392x128xf32>, vector<392x128xf32>, vector<392x128xf32>, vector<392x128xf32>, vector<392x128xf32>, vector<392x128xf32>, vector<392x128xf32> -> vector<6272x128xf32>
    %swap3A = arith.constant 0 : index
    %swap3A_133 = arith.constant 0 : index
    %swap3A_134 = vector.load %arg10[%swap3A, %swap3A_133] : memref<6272x128xf32, #tpu.memory_space<vmem>>, vector<6272x128xf32>
    tpu.vector_store %arg10[%swap3A, %swap3A_133], %concatenate3A_132 {strides = array<i32>} : memref<6272x128xf32, #tpu.memory_space<vmem>>, vector<6272x128xf32>,
    return
  }
  func.func @transform_0(%arg0: i32) -> (i32, i32) {
    %c0_i32 = arith.constant 0 : i32
    %c0_i32_0 = arith.constant 0 : i32
    return %arg0, %c0_i32 : i32, i32
  }
  func.func @transform_1(%arg0: i32) -> (i32, i32) {
    %c0_i32 = arith.constant 0 : i32
    %c0_i32_0 = arith.constant 0 : i32
    return %arg0, %c0_i32 : i32, i32
  }
  func.func @transform_2(%arg0: i32) -> (i32, i32) {
    %c0_i32 = arith.constant 0 : i32
    %c0_i32_0 = arith.constant 0 : i32
    return %arg0, %c0_i32 : i32, i32
  }
  func.func @transform_3(%arg0: i32) -> (i32, i32) {
    %c0_i32 = arith.constant 0 : i32
    %c0_i32_0 = arith.constant 0 : i32
    return %arg0, %c0_i32 : i32, i32
  }
  func.func @transform_4(%arg0: i32) -> (i32, i32) {
    %c0_i32 = arith.constant 0 : i32
    %c0_i32_0 = arith.constant 0 : i32
    return %arg0, %c0_i32 : i32, i32
  }
  func.func @transform_5(%arg0: i32) -> (i32, i32) {
    %c0_i32 = arith.constant 0 : i32
    %c0_i32_0 = arith.constant 0 : i32
    %c0_i32_1 = arith.constant 0 : i32
    return %c0_i32, %c0_i32_0 : i32, i32
  }
  func.func @transform_6(%arg0: i32) -> (i32, i32) {
    %c0_i32 = arith.constant 0 : i32
    %c0_i32_0 = arith.constant 0 : i32
    %c0_i32_1 = arith.constant 0 : i32
    return %c0_i32, %c0_i32_0 : i32, i32
  }
  func.func @transform_7(%arg0: i32) -> (i32, i32) {
    %c0_i32 = arith.constant 0 : i32
    %c0_i32_0 = arith.constant 0 : i32
    %c0_i32_1 = arith.constant 0 : i32
    return %c0_i32, %c0_i32_0 : i32, i32
  }
  func.func @transform_8(%arg0: i32) -> (i32, i32) {
    %c0_i32 = arith.constant 0 : i32
    %c0_i32_0 = arith.constant 0 : i32
    %c0_i32_1 = arith.constant 0 : i32
    return %c0_i32, %c0_i32_0 : i32, i32
  }
  func.func @transform_9(%arg0: i32) -> (i32, i32) {
    %c0_i32 = arith.constant 0 : i32
    %c0_i32_0 = arith.constant 0 : i32
    return %arg0, %c0_i32 : i32, i32
  }
}

</mosaic_0001>

<sc_bundles>
// kernel: kernel.6.cloned.1.call-start
scs
__scs_entry_jumppad:
0x0: {  	(pc) =	sbr.rel $0x88, $3  }
0x1: {  	(tag) =	ssettag $0x0;
	lr =	simm.s32 $0x1  }
0x2: {  	[smem:$0x3F9D] =	sst lr;
	_ =	strace $0xD0000000  }
0x3: {  	_ = 	snop  }
0x4: {  	_ = 	snop  }
0x5: {  	_ = 	snop  }
0x6: {  	_ = 	snop  }
0x7: {  	_ = 	snop  }
__scs_overlays_trampoline_lowered:
0x8: {  	[smem:$0x3FAC] =	sst s0  }
0x9: {  	[smem:$0x3FAD] =	sst s1  }
0xa: {  	[smem:$0x3FAE] =	sst s2  }
0xb: {  	[smem:$0x3FAF] =	sst s3  }
0xc: {  	[smem:$0x3FB0] =	sst s4  }
0xd: {  	[smem:$0x3FB1] =	sst s5  }
0xe: {  	[smem:$0x3FB2] =	sst s6  }
0xf: {  	[smem:$0x3FB3] =	sst s7  }
0x10: {  	[smem:$0x3FB4] =	sst s8  }
0x11: {  	[smem:$0x3FB5] =	sst s9;
	s0 =	simm.s32 @!p0 $0x0  }
0x12: {  	s1 =	sld [smem:$0x3F9B];
	s0 =	simm.s32 @p0 $0x1  }
0x13: {  	[smem:$0x3FB6] =	sst s0;
	s0 =	simm.s32 @!p1 $0x0  }
0x14: {  	s2 =	sld [smem:$0x3F9A];
	s0 =	simm.s32 @p1 $0x1  }
0x15: {  	[smem:$0x3FB7] =	sst s0;
	s0 =	simm.s32 @!p2 $0x0  }
0x16: {  	s3 =	sld [smem:$0x3FDB];
	s0 =	simm.s32 @p2 $0x1  }
0x17: {  	s4 =	simm.s32 $0x1BF5;
	[smem:$0x3FB9] =	sst s0  }
0x18: {  	s0 =	sld [smem:$0x3F9C];
	_ =	swait.ge [sflag:s4], $0x0  }
0x19: {  	s7 =	sld [smem:$0x3F9D]  }
0x1a: {  	s8 =	sadd.s32 $0xFFFFE003, lr  }
0x1b: {  	s9 =	sadd.s32 $0xFFFFFEF7, lr;
	s5 =	simm.s32 $0xFFFFFFFF;
	p2 =	slt.u32 s8, $0xFFFFF086  }
0x1c: {  	p1 =	slt.u32 s9, $0xF7A;
	s5 =	simm.s32 @!p2 $0x0  }
0x1d: {  	s5 =	simm.s32 @p1 $0x1;
	p0 =	seq.s32 s7, s2  }
0x1e: {  	s7 =	smul.u32 @!p0 $0xF7A, s2;
	p2 =	seq.s32 @!p0 s5, $0x0  }
0x1f: {  	s9 =	smul.u32 $0xF7A, s1;
	s8 =	simm.s32 @!p0 $0x1BF5;
	p2 =	por !p2, p0  }
0x20: {  	[sflag:s8] =	ssyncset.s32 @!p0 $0xFFFFF086;
	s6 =	sadd.s32 @!p0 s3, s7;
	s7 =	simm.s32 @!p0 $0x108  }
0x21: {  	s3 =	sadd.s32 s3, s9;
	s6 =	sadd.s32 @!p0 $0x88, s6;
	s7 =	simm.s32 @p2 $0x1082  }
0x22: {  	[simem:s7], [sflag:s8] =	dma.local @!p0 [hbm:s6], $0xF7A  }
0x23: {  	s9 =	sor.u32 $0xD0000000, s2;
	s6 =	simm.s32 $0x108;
	_ =	swait.ge @!p0 [sflag:s8], $0x0  }
0x24: {  	s3 =	sadd.s32 $0x88, s3;
	s6 =	simm.s32 @!p1 $0x1082;
	[sflag:s4] =	ssyncset.s32 $0xFFFFF086  }
0x25: {  	[simem:s6], [sflag:s4] =	dma.local [hbm:s3], $0xF7A  }
0x26: {  	[smem:$0x3F9D] =	sst s1;
	(tag) =	ssettag s2;
	_ =	strace s9  }
0x27: {  	s1 =	sld [smem:$0x3FAD]  }
0x28: {  	s2 =	sld [smem:$0x3FAE]  }
0x29: {  	s4 =	sld [smem:$0x3FB0]  }
0x2a: {  	p0 =	seq.s32 s5, $0x0;
	s5 =	sld [smem:$0x3FB1]  }
0x2b: {  	s6 =	sld [smem:$0x3FB2]  }
0x2c: {  	s7 =	sld [smem:$0x3FB3]  }
0x2d: {  	s3 =	simm.s32 $0x108;
	s8 =	sld [smem:$0x3FB4]  }
0x2e: {  	s3 =	simm.s32 @!p0 $0x1082;
	s9 =	sld [smem:$0x3FB5]  }
0x2f: {  	lr =	sadd.s32 s0, s3;
	s0 =	sld [smem:$0x3FAC]  }
0x30: {  	s3 =	sld [smem:$0x3FAF]  }
0x31: {  	[smem:$0x3FB8] =	sst s10  }
0x32: {  	s10 =	sld [smem:$0x3FB6];
	_ =	sdelay $0x3  }
0x33: {  	p0 =	seq.s32 s10, $0x1;
	s10 =	sld [smem:$0x3FB8];
	_ =	sdelay $0x3  }
0x34: {  	[smem:$0x3FB8] =	sst s10  }
0x35: {  	s10 =	sld [smem:$0x3FB7];
	_ =	sdelay $0x3  }
0x36: {  	p1 =	seq.s32 s10, $0x1;
	s10 =	sld [smem:$0x3FB8];
	_ =	sdelay $0x3  }
0x37: {  	[smem:$0x3FB8] =	sst s10  }
0x38: {  	s10 =	sld [smem:$0x3FB9]  }
0x39: {  	_ = 	snop;
	(pc) =	sbr.ind lr, $3  }
0x3a: {  	_ = 	snop  }
0x3b: {  	_ = 	snop  }
0x3c: {  	p2 =	seq.s32 s10, $0x1;
	s10 =	sld [smem:$0x3FB8]  }
0x3d: {  	_ =	shalt  }
0x3e: {  	_ =	shalt  }
0x3f: {  	_ =	shalt  }
0x40: {  	_ =	shalt  }
0x41: {  	_ =	shalt  }
0x42: {  	_ =	shalt  }
0x43: {  	_ =	shalt  }
0x44: {  	_ =	shalt  }
0x45: {  	_ =	shalt  }
0x46: {  	_ =	shalt  }
0x47: {  	_ =	shalt  }
0x48: {  	_ =	shalt  }
0x49: {  	_ =	shalt  }
0x4a: {  	_ =	shalt  }
0x4b: {  	_ =	shalt  }
0x4c: {  	_ =	shalt  }
0x4d: {  	_ =	shalt  }
0x4e: {  	_ =	shalt  }
0x4f: {  	_ =	shalt  }
0x50: {  	_ =	shalt  }
0x51: {  	_ =	shalt  }
0x52: {  	_ =	shalt  }
0x53: {  	_ =	shalt  }
0x54: {  	_ =	shalt  }
0x55: {  	_ =	shalt  }
0x56: {  	_ =	shalt  }
0x57: {  	_ =	shalt  }
0x58: {  	_ =	shalt  }
0x59: {  	_ =	shalt  }
0x5a: {  	_ =	shalt  }
0x5b: {  	_ =	shalt  }
0x5c: {  	_ =	shalt  }
0x5d: {  	_ =	shalt  }
0x5e: {  	_ =	shalt  }
0x5f: {  	_ =	shalt  }
0x60: {  	_ =	shalt  }
0x61: {  	_ =	shalt  }
0x62: {  	_ =	shalt  }
0x63: {  	_ =	shalt  }
0x64: {  	_ =	shalt  }
0x65: {  	_ =	shalt  }
0x66: {  	_ =	shalt  }
0x67: {  	_ =	shalt  }
0x68: {  	_ =	shalt  }
0x69: {  	_ =	shalt  }
0x6a: {  	_ =	shalt  }
0x6b: {  	_ =	shalt  }
0x6c: {  	_ =	shalt  }
0x6d: {  	_ =	shalt  }
0x6e: {  	_ =	shalt  }
0x6f: {  	_ =	shalt  }
0x70: {  	_ =	shalt  }
0x71: {  	_ =	shalt  }
0x72: {  	_ =	shalt  }
0x73: {  	_ =	shalt  }
0x74: {  	_ =	shalt  }
0x75: {  	_ =	shalt  }
0x76: {  	_ =	shalt  }
0x77: {  	_ =	shalt  }
0x78: {  	_ =	shalt  }
0x79: {  	_ =	shalt  }
0x7a: {  	_ =	shalt  }
0x7b: {  	_ =	shalt  }
0x7c: {  	_ =	shalt  }
0x7d: {  	_ =	shalt  }
0x7e: {  	_ =	shalt  }
0x7f: {  	_ =	shalt  }
0x80: {  	_ =	shalt  }
0x81: {  	_ =	shalt  }
0x82: {  	_ =	shalt  }
0x83: {  	_ =	shalt  }
0x84: {  	_ =	shalt  }
0x85: {  	_ =	shalt  }
0x86: {  	_ =	shalt  }
0x87: {  	_ =	shalt  }
.Lfunc_end0:
.L_simem_size_0:
called_computation_lowered:
.L_overlay_start_0:
0x88: {  	s2 =	sld [smem:$0x3FD9]  }
0x89: {  	s3 =	sld [smem:$0x3FFE];
	_ =	sdelay $0x1  }
0x8a: {  	s1 =	srdreg.scid  }
0x8b: {  	s0 =	sand.u32 $0x1, s1  }
0x8c: {  	s17 =	sshll.u32 s0, $0xA;
	s2 =	sadd.s32 s3, s2  }
0x8d: {  	s2 =	sadd.s32 s2, s17  }
0x8e: {  	[smem:$0x3FC4] =	sst s2  }
0x8f: {  	_ = 	snop  }
0x90: {  	s2 =	sld [smem:$0x3FD0];
	(tm) =	ssettm $0x1  }
0x91: {  	s18 =	sld [smem:$0x3FFB];
	_ =	sdelay $0x3  }
0x92: {  	_ =	strace s18  }
0x93: {  	s3 =	sld [smem:$0x3FFC];
	_ =	sdelay $0x3  }
0x94: {  	_ =	strace s3  }
0x95: {  	s3 =	sld [smem:$0x3FFD];
	_ =	sdelay $0x3  }
0x96: {  	_ =	strace s3  }
0x97: {  	_ =	strace $0x8FFFFFFF  }
0x98: {  	s19 =	sld [smem:$0x3FDB];
	_ =	sdelay $0x1  }
0x99: {  	s4 =	simm.s32 $_scs_section_size  }
0x9a: {  	s5 =	simm.s32 $_size__tile_overlayer_lowered;
	s6 =	simm.s32 $_tile_overlayer_lowered  }
0x9b: {  	s22 =	simm.s32 $0x1BFF;
	s21 =	sshll.u32 s6, $0x1;
	s3 =	sadd.s32 s4, s19  }
0x9c: {  	s7 =	simm.s32 $0x0;
	s20 =	sshll.u32 s5, $0x1;
	s5 =	sadd.s32 s21, s3  }
0x9d: {  	[timem:s7], [sflag:s22] =	dma.local [hbm:s5], s20  }
0x9e: {  	_ =	swait.ge [sflag:s22], s20  }
0x9f: {  	s4 =	ssub.s32 $0x0, s20;
	[sflag:s22] =	ssyncset.done $0x0  }
0xa0: {  	[sflag:s22] =	ssyncadd.s32 s4;
	_ =	sdelay $0x1  }
0xa1: {  	s23 =	simm.s32 $0x1B8B  }
0xa2: {  	_ =	swait.ge [sflag:s23], $0x1  }
0xa3: {  	[sflag:s23] =	ssyncset.done $0x0  }
0xa4: {  	s25 =	simm.s32 $0x1B8E;
	s24 =	sld [smem:$0x3FFE];
	[sflag:s23] =	ssyncadd.s32 $0xFFFFFFFF  }
0xa5: {  	s26 =	simm.s32 $execute0_lowered;
	[smem:$0x3FD2] =	sst s25  }
0xa6: {  	s5 =	sshll.u32 s26, $0x1;
	_ =	strace $0x80000046;
	[dreg:$0x1] =	wrdreg $0xFFFFFFFF  }
0xa7: {  	s28 =	simm.s32 $_size_execute0_lowered;
	s3 =	sadd.s32 s3, s5;
	[dreg:$0x0] =	wrdreg $0x0  }
0xa8: {  	s5 =	sshll.u32 s28, $0x1;
	[dreg:$0x2] =	wrdreg s3  }
0xa9: {  	[dreg:$0x3] =	wrdreg s5  }
0xaa: {  	[dreg:$0x4] =	wrdreg $0xC0  }
0xab: {  	_ =	task [dreg:s7], $0x5FFFF  }
0xac: {  	[dreg:$0x1] =	wrdreg $0xFFFFFFFF  }
0xad: {  	[dreg:$0x0] =	wrdreg $0x60  }
0xae: {  	[dreg:$0x2] =	wrdreg s24  }
0xaf: {  	[dreg:$0x3] =	wrdreg s2  }
0xb0: {  	[dreg:$0x4] =	wrdreg $0x9  }
0xb1: {  	_ =	task.clear_ibuf [dreg:s7], $0x5FFFF;
	_ =	strace $0x90000046  }
0xb2: {  	s29 =	simm.s32 $0x9;
	_ =	strace $0x80000048  }
0xb3: {  	_ =	swait.ge [sflag:s29], $0x1  }
0xb4: {  	[sflag:s29] =	ssyncadd.s32 $0xFFFFFFFF  }
0xb5: {  	_ =	strace $0x90000048  }
0xb6: {  	_ =	sfence  }
0xb7: {  	s30 =	sld [smem:$0x0];
	_ =	sdelay $0x2  }
0xb8: {  	s31 =	sshll.u32 s1, $0xD;
	s1 =	sshrl.u32 s1, $0x2  }
0xb9: {  	s3 =	sand.u32 $0x4000, s31;
	s1 =	sadd.s32 s1, s30  }
0xba: {  	s0 =	sor.u32 s3, s0;
	s1 =	sshll.u32 s1, $0x11  }
0xbb: {  	s0 =	sor.u32 s1, s0  }
0xbc: {  	s0 =	sadd.s32 $0x8F2B, s0  }
0xbd: {  	[sflag:s0] =	ssyncadd.remote.s32 $0x1  }
0xbe: {  	_ =	sfence.sel $0xFFFF  }
0xbf: {  	[dreg:$0x0] =	wrdreg $0xFFFFFFFF;
	(pc) =	sbr.abs _section_cstart, $3  }
0xc0: {  	[dreg:$0x1] =	wrdreg $0xFFFFFFFF  }
0xc1: {  	_ =	task.clear_ibuf [dreg:s7], $0x2FFFF;
	_ =	strace $0x9FFFFFFF  }
0xc2: {  	(tm) =	ssettm $0x7FFFFFFF  }
0xc3: {  	_ =	shalt  }
tec
execute0_lowered:
.L_overlay_start_1:
0x0: {  	(tag) =	ssettag $0x1  }
0x1: {  	s0 =	srdreg.scid;
	s2 =	stileid.u32  }
0x2: {  	s1 =	rddreg [dreg:$0x0];
	s11 =	simm.s32 $0x3;
	s13 =	simm.s32 $0x70  }
0x3: {  	s15 =	simm.s32 $0xC40;
	s16 =	simm.s32 $0xEFC0;
	s17 =	simm.s32 $0x1880  }
0x4: {  	s18 =	simm.s32 $0xF6C0;
	s19 =	simm.s32 $0xFDC0;
	s20 =	simm.s32 $0x104C0  }
0x5: {  	s21 =	simm.s32 $0x10BC0;
	s22 =	simm.s32 $0x1;
	s23 =	simm.s32 $0x112C0  }
0x6: {  	s24 =	simm.s32 $0x2;
	s0 =	sand.u32 $0x1, s0;
	s3 =	sshll.u32 s2, $0x1  }
0x7: {  	s25 =	simm.s32 $0x119C0;
	s26 =	simm.s32 $0x0;
	s7 =	sor.u32 s0, s3  }
0x8: {  	s2 =	rddreg [dreg:$0x1];
	s5 =	sadd.s32 $0x6CC00, s1;
	s4 =	smul.u32 $0x1880, s7  }
0x9: {  	s3 =	simm.s32 $0x0;
	s0 =	ssub.s32 $0x2, s0;
	s6 =	smul.u32 $0x498, s7  }
0xa: {  	[smem:$0x7FF] =	sst s3;
	s31 =	sshrl.u32 s0, $0x1;
	s7 =	smul.u32 $0xC40, s7  }
0xb: {  	_ =	strace $0x80000047;
	s0 =	ssub.s32 s0, s31;
	s9 =	sadd.s32 s4, s1  }
0xc: {  	s4 =	sadd.s32 $0x3BC00, s1;
	s8 =	sadd.s32 s6, s1;
	s6 =	sadd.s32 $0x9DC00, s1  }
0xd: {  	s10 =	smax.u32 s0, $0x1;
	s8 =	sadd.s32 $0x1800, s8;
	s9 =	sadd.s32 $0xAC00, s9  }
.LBB2_1:
0xe: {  	[tilespmem:s3], [sflag:$0x3] =	stream.linear.gather [hbm4b:s8+s3], $0x24C0, $0x38;
	[tilespmem:$0x120C0] =	vst v63  }
0xf: {  	_ =	swait.ge [sflag:s11], $0x24C0  }
0x10: {  	[sflag:s11] =	ssyncset.done $0x0  }
0x11: {  	s0 =	simm.s32 $0x24C0;
	[sflag:s11] =	ssyncadd.s32 $0xFFFFDB40  }
0x12: {  	[tilespmem:s0], [sflag:$0x3] =	stream.linear.gather [hbm4b:s9+s3], $0xC400, $0x38;
	[tilespmem:$0x120C0] =	vst v63  }
0x13: {  	_ =	swait.ge [sflag:s11], $0xC400  }
0x14: {  	[sflag:s11] =	ssyncset.done $0x0  }
0x15: {  	s31 =	simm.s32 $0xE8C0;
	[sflag:s11] =	ssyncadd.s32 $0xFFFF3C00  }
0x16: {  	[tilespmem:s31], [sflag:$0x1] =	stream.indirect.gather [hbm4b:s4+s13], $0x10, s3, s13, $0xb8;
	[tilespmem:$0x120C0] =	vst v63  }
0x17: {  	_ = 	snop  }
0x18: {  	[tilespmem:s16], [sflag:$0x1] =	stream.indirect.gather [hbm4b:s5+s13], $0x10, s15, s13, $0xb8;
	[tilespmem:$0x120C0] =	vst v63  }
0x19: {  	s28 =	simm.s32 $0x24F0;
	s29 =	simm.s32 $0x2BF0;
	s30 =	simm.s32 $0x0  }
0x1a: {  	[tilespmem:s18], [sflag:$0x1] =	stream.indirect.gather [hbm4b:s2+s13], $0x10, s17, s13, $0xb8;
	[tilespmem:$0x120C0] =	vst v63  }
.LBB2_2:
0x1b: {  	s1 =	smul.u32 $0xE0, s30;
	_ =	sdelay $0x1  }
0x1c: {  	s31 =	sadd.s32 $0x70, s1  }
0x1d: {  	[tilespmem:s19], [sflag:$0x2] =	stream.indirect.gather [hbm4b:s4+s13], $0x10, s31, s13, $0xb8;
	[tilespmem:$0x120C0] =	vst v63  }
0x1e: {  	s0 =	sadd.s32 $0xCB0, s1  }
0x1f: {  	[tilespmem:s20], [sflag:$0x2] =	stream.indirect.gather [hbm4b:s5+s13], $0x10, s0, s13, $0xb8;
	[tilespmem:$0x120C0] =	vst v63  }
0x20: {  	s14 =	sadd.s32 $0x18F0, s1  }
0x21: {  	[tilespmem:s21], [sflag:$0x2] =	stream.indirect.gather [hbm4b:s2+s13], $0x10, s14, s13, $0xb8;
	[tilespmem:$0x120C0] =	vst v63  }
0x22: {  	_ =	swait.ge [sflag:s22], $0x700  }
0x23: {  	[sflag:s22] =	ssyncset.done $0x0  }
0x24: {  	[sflag:s22] =	ssyncadd.s32 $0xFFFFF900  }
0x25: {  	_ =	swait.ge [sflag:s22], $0x700  }
0x26: {  	[sflag:s22] =	ssyncset.done $0x0  }
0x27: {  	[sflag:s22] =	ssyncadd.s32 $0xFFFFF900  }
0x28: {  	v0 =	vmov s28;
	_ =	swait.ge [sflag:s22], $0x700  }
0x29: {  	[sflag:s22] =	ssyncset.done $0x0  }
0x2a: {  	s0 =	simm.s32 $0x0;
	[sflag:s22] =	ssyncadd.s32 $0xFFFFF900  }
0x2b: {  	v1 =	vld [tilespmem:s0+$0xE8C0]  }
0x2c: {  	s12 =	simm.s32 $0x100;
	v2 =	vld [tilespmem:s0+$0xEFC0]  }
.LBB2_3:
0x2d: {  	p0 =	sne.s32 s12, $0x1B00;
	v3 =	vld.idx.msk [tilespmem:v0+s0+$0xFFFFFFD0 ss:$0x1], $0xffff  }
0x2e: {  	v4 =	vld [tilespmem:s0+$0xF6C0];
	_ =	sdelay $0x4  }
0x2f: {  	v1 =	vadd.f32 v1, v3;
	v2 =	vadd.f32 v4, v2;
	_ =	sdelay $0x1  }
0x30: {  	v1 =	vadd.f32 v2, v1  }
0x31: {  	v2 =	vld [tilespmem:s0+$0xE8D0]  }
0x32: {  	[tilespmem:s0+$0x112C0] =	vst v1;
	v1 =	vld [tilespmem:s0+$0xEFD0]  }
0x33: {  	v3 =	vld.idx.msk [tilespmem:v0+s0+$0xFFFFFFE0 ss:$0x1], $0xffff  }
0x34: {  	v4 =	vld [tilespmem:s0+$0xF6D0];
	_ =	sdelay $0x4  }
0x35: {  	v2 =	vadd.f32 v2, v3;
	v1 =	vadd.f32 v4, v1;
	_ =	sdelay $0x1  }
0x36: {  	v1 =	vadd.f32 v1, v2  }
0x37: {  	v2 =	vld [tilespmem:s0+$0xE8E0]  }
0x38: {  	[tilespmem:s0+$0x112D0] =	vst v1;
	v1 =	vld [tilespmem:s0+$0xEFE0]  }
0x39: {  	v3 =	vld.idx.msk [tilespmem:v0+s0+$0xFFFFFFF0 ss:$0x1], $0xffff  }
0x3a: {  	v4 =	vld [tilespmem:s0+$0xF6E0];
	_ =	sdelay $0x4  }
0x3b: {  	v2 =	vadd.f32 v2, v3;
	v1 =	vadd.f32 v4, v1;
	_ =	sdelay $0x1  }
0x3c: {  	v1 =	vadd.f32 v1, v2  }
0x3d: {  	v2 =	vld [tilespmem:s0+$0xE8F0]  }
0x3e: {  	[tilespmem:s0+$0x112E0] =	vst v1;
	v1 =	vld [tilespmem:s0+$0xEFF0]  }
0x3f: {  	v3 =	vld.idx.msk [tilespmem:v0+s0+$0x0 ss:$0x1], $0xffff  }
0x40: {  	v4 =	vld [tilespmem:s0+$0xF6F0];
	_ =	sdelay $0x4  }
.Ltmp0:
0x41: {  	v2 =	vadd.f32 v2, v3;
	v1 =	vadd.f32 v4, v1;
	(pc) =	sbr.rel @p0 .LBB2_3-.Ltmp0, $4  }
0x42: {  	_ = 	snop  }
0x43: {  	s14 =	sshra.s32 s12, $0x2;
	v3 =	vadd.f32 v1, v2  }
0x44: {  	v1 =	vld [tilespmem:s14+$0xE8C0]  }
0x45: {  	s12 =	sadd.s32 $0x100, s12;
	v2 =	vld [tilespmem:s14+$0xEFC0];
	[tilespmem:s0+$0x112F0] =	vst v3;
	s0 =	smov.u32 s14  }
0x46: {  	_ =	sdelay $0x3  }
0x47: {  	v3 =	vld.idx.msk [tilespmem:v0+s0+$0xFFFFFFD0 ss:$0x1], $0xffff  }
0x48: {  	v4 =	vld [tilespmem:s0+$0xF6C0];
	_ =	sdelay $0x4  }
0x49: {  	v1 =	vadd.f32 v1, v3;
	v2 =	vadd.f32 v4, v2;
	_ =	sdelay $0x1  }
0x4a: {  	v62 =	vld [tilespmem:s0+$0xF6D0];
	v1 =	vadd.f32 v2, v1  }
0x4b: {  	v2 =	vld [tilespmem:s0+$0xE8D0]  }
0x4c: {  	[tilespmem:s0+$0x112C0] =	vst v1;
	v1 =	vld [tilespmem:s0+$0xEFD0]  }
0x4d: {  	v3 =	vld.idx.msk [tilespmem:v0+s0+$0xFFFFFFE0 ss:$0x1], $0xffff;
	_ =	sdelay $0x4  }
0x4e: {  	v1 =	vadd.f32 v62, v1;
	v2 =	vadd.f32 v2, v3;
	_ =	sdelay $0x1  }
0x4f: {  	v63 =	vld [tilespmem:s0+$0xF6E0];
	v1 =	vadd.f32 v1, v2  }
0x50: {  	v2 =	vld [tilespmem:s0+$0xE8E0]  }
0x51: {  	[tilespmem:s0+$0x112D0] =	vst v1;
	v1 =	vld [tilespmem:s0+$0xEFE0]  }
0x52: {  	v3 =	vld.idx.msk [tilespmem:v0+s0+$0xFFFFFFF0 ss:$0x1], $0xffff;
	_ =	sdelay $0x4  }
0x53: {  	v1 =	vadd.f32 v63, v1;
	v2 =	vadd.f32 v2, v3;
	_ =	sdelay $0x1  }
0x54: {  	v3 =	vld [tilespmem:s0+$0xF6F0];
	v1 =	vadd.f32 v1, v2  }
0x55: {  	v2 =	vld [tilespmem:s0+$0xE8F0]  }
0x56: {  	[tilespmem:s0+$0x112E0] =	vst v1;
	v1 =	vld [tilespmem:s0+$0xEFF0]  }
0x57: {  	v0 =	vld.idx.msk [tilespmem:v0+s0+$0x0 ss:$0x1], $0xffff;
	_ =	sdelay $0x4  }
0x58: {  	v1 =	vadd.f32 v3, v1;
	v0 =	vadd.f32 v2, v0;
	_ =	sdelay $0x1  }
0x59: {  	s12 =	sadd.s32 s7, s1;
	v0 =	vadd.f32 v1, v0  }
0x5a: {  	s12 =	sshll.u32 s12, $0x1  }
0x5b: {  	s14 =	sadd.s32 s6, s12;
	[tilespmem:s0+$0x112F0] =	vst v0  }
0x5c: {  	[hbm4b:s14+s3] =	stream.linear.scatter [tilespmem:s23], [sflag:$0x3], $0x700, $0x38;
	[tilespmem:$0x120C0] =	vst v63  }
0x5d: {  	p0 =	seq.s32 s30, $0xD;
	_ =	swait.ge [sflag:s11], $0x700  }
0x5e: {  	s12 =	simm.s32 @!p0 $0x70;
	[sflag:s11] =	ssyncset.done $0x0  }
0x5f: {  	s0 =	sadd.s32 @!p0 $0xE0, s1;
	s14 =	simm.s32 @!p0 $0xE8C0;
	[sflag:s11] =	ssyncadd.s32 $0xFFFFF900  }
0x60: {  	[tilespmem:s14], [sflag:$0x1] =	stream.indirect.gather @!p0 [hbm4b:s4+s12], $0x10, s0, s12, $0xb8;
	[tilespmem:$0x120C0] =	vst v63  }
0x61: {  	s0 =	sadd.s32 @!p0 $0xD20, s1;
	s14 =	simm.s32 @!p0 $0xEFC0  }
0x62: {  	[tilespmem:s14], [sflag:$0x1] =	stream.indirect.gather @!p0 [hbm4b:s5+s12], $0x10, s0, s12, $0xb8;
	[tilespmem:$0x120C0] =	vst v63  }
0x63: {  	s0 =	sadd.s32 @!p0 $0x1960, s1;
	s1 =	simm.s32 @!p0 $0xF6C0  }
0x64: {  	[tilespmem:s1], [sflag:$0x1] =	stream.indirect.gather @!p0 [hbm4b:s2+s12], $0x10, s0, s12, $0xb8;
	[tilespmem:$0x120C0] =	vst v63  }
0x65: {  	_ =	swait.ge [sflag:s24], $0x700  }
0x66: {  	[sflag:s24] =	ssyncset.done $0x0  }
0x67: {  	[sflag:s24] =	ssyncadd.s32 $0xFFFFF900  }
0x68: {  	_ =	swait.ge [sflag:s24], $0x700  }
0x69: {  	[sflag:s24] =	ssyncset.done $0x0  }
0x6a: {  	[sflag:s24] =	ssyncadd.s32 $0xFFFFF900  }
0x6b: {  	v0 =	vmov s29;
	_ =	swait.ge [sflag:s24], $0x700  }
0x6c: {  	[sflag:s24] =	ssyncset.done $0x0  }
0x6d: {  	s1 =	simm.s32 $0x0;
	[sflag:s24] =	ssyncadd.s32 $0xFFFFF900  }
0x6e: {  	v1 =	vld [tilespmem:s1+$0xFDC0]  }
0x6f: {  	s0 =	simm.s32 $0x100;
	v2 =	vld [tilespmem:s1+$0x104C0]  }
.LBB2_5:
0x70: {  	p0 =	sne.s32 s0, $0x1B00;
	v3 =	vld.idx.msk [tilespmem:v0+s1+$0xFFFFFFD0 ss:$0x1], $0xffff  }
0x71: {  	v4 =	vld [tilespmem:s1+$0x10BC0];
	_ =	sdelay $0x4  }
0x72: {  	v1 =	vadd.f32 v1, v3;
	v2 =	vadd.f32 v4, v2;
	_ =	sdelay $0x1  }
0x73: {  	v1 =	vadd.f32 v2, v1  }
0x74: {  	v2 =	vld [tilespmem:s1+$0xFDD0]  }
0x75: {  	[tilespmem:s1+$0x119C0] =	vst v1;
	v1 =	vld [tilespmem:s1+$0x104D0]  }
0x76: {  	v3 =	vld.idx.msk [tilespmem:v0+s1+$0xFFFFFFE0 ss:$0x1], $0xffff  }
0x77: {  	v4 =	vld [tilespmem:s1+$0x10BD0];
	_ =	sdelay $0x4  }
0x78: {  	v2 =	vadd.f32 v2, v3;
	v1 =	vadd.f32 v4, v1;
	_ =	sdelay $0x1  }
0x79: {  	v1 =	vadd.f32 v1, v2  }
0x7a: {  	v2 =	vld [tilespmem:s1+$0xFDE0]  }
0x7b: {  	[tilespmem:s1+$0x119D0] =	vst v1;
	v1 =	vld [tilespmem:s1+$0x104E0]  }
0x7c: {  	v3 =	vld.idx.msk [tilespmem:v0+s1+$0xFFFFFFF0 ss:$0x1], $0xffff  }
0x7d: {  	v4 =	vld [tilespmem:s1+$0x10BE0];
	_ =	sdelay $0x4  }
0x7e: {  	v2 =	vadd.f32 v2, v3;
	v1 =	vadd.f32 v4, v1;
	_ =	sdelay $0x1  }
0x7f: {  	v1 =	vadd.f32 v1, v2  }
0x80: {  	v2 =	vld [tilespmem:s1+$0xFDF0]  }
0x81: {  	[tilespmem:s1+$0x119E0] =	vst v1;
	v1 =	vld [tilespmem:s1+$0x104F0]  }
0x82: {  	v3 =	vld.idx.msk [tilespmem:v0+s1+$0x0 ss:$0x1], $0xffff  }
0x83: {  	v4 =	vld [tilespmem:s1+$0x10BF0];
	_ =	sdelay $0x4  }
.Ltmp1:
0x84: {  	v2 =	vadd.f32 v2, v3;
	v1 =	vadd.f32 v4, v1;
	(pc) =	sbr.rel @p0 .LBB2_5-.Ltmp1, $4  }
0x85: {  	_ = 	snop  }
0x86: {  	s12 =	sshra.s32 s0, $0x2;
	v3 =	vadd.f32 v1, v2  }
0x87: {  	v1 =	vld [tilespmem:s12+$0xFDC0]  }
0x88: {  	s0 =	sadd.s32 $0x100, s0;
	v2 =	vld [tilespmem:s12+$0x104C0];
	[tilespmem:s1+$0x119F0] =	vst v3;
	s1 =	smov.u32 s12  }
0x89: {  	_ =	sdelay $0x3  }
0x8a: {  	v3 =	vld.idx.msk [tilespmem:v0+s1+$0xFFFFFFD0 ss:$0x1], $0xffff  }
0x8b: {  	v4 =	vld [tilespmem:s1+$0x10BC0];
	_ =	sdelay $0x4  }
0x8c: {  	v1 =	vadd.f32 v1, v3;
	v2 =	vadd.f32 v4, v2;
	_ =	sdelay $0x1  }
0x8d: {  	v52 =	vld [tilespmem:s1+$0xFDD0];
	v1 =	vadd.f32 v2, v1  }
0x8e: {  	v53 =	vld [tilespmem:s1+$0x104D0]  }
0x8f: {  	v55 =	vld [tilespmem:s1+$0x10BD0];
	[tilespmem:s1+$0x119C0] =	vst v1  }
0x90: {  	v54 =	vld.idx.msk [tilespmem:v0+s1+$0xFFFFFFE0 ss:$0x1], $0xffff;
	_ =	sdelay $0x4  }
0x91: {  	v1 =	vadd.f32 v55, v53;
	v2 =	vadd.f32 v52, v54;
	_ =	sdelay $0x1  }
0x92: {  	v56 =	vld [tilespmem:s1+$0xFDE0];
	v1 =	vadd.f32 v1, v2  }
0x93: {  	v57 =	vld [tilespmem:s1+$0x104E0]  }
0x94: {  	v59 =	vld [tilespmem:s1+$0x10BE0];
	[tilespmem:s1+$0x119D0] =	vst v1  }
0x95: {  	v58 =	vld.idx.msk [tilespmem:v0+s1+$0xFFFFFFF0 ss:$0x1], $0xffff;
	_ =	sdelay $0x4  }
0x96: {  	v1 =	vadd.f32 v59, v57;
	v2 =	vadd.f32 v56, v58;
	_ =	sdelay $0x1  }
0x97: {  	v60 =	vld [tilespmem:s1+$0xFDF0];
	v1 =	vadd.f32 v1, v2  }
0x98: {  	v61 =	vld [tilespmem:s1+$0x104F0]  }
0x99: {  	v63 =	vld [tilespmem:s1+$0x10BF0];
	[tilespmem:s1+$0x119E0] =	vst v1  }
0x9a: {  	v62 =	vld.idx.msk [tilespmem:v0+s1+$0x0 ss:$0x1], $0xffff;
	_ =	sdelay $0x4  }
0x9b: {  	v1 =	vadd.f32 v63, v61;
	v0 =	vadd.f32 v60, v62  }
0x9c: {  	s0 =	sadd.s32 s7, s31  }
0x9d: {  	s30 =	sadd.s32 $0x1, s30;
	s0 =	sshll.u32 s0, $0x1;
	v0 =	vadd.f32 v1, v0  }
0x9e: {  	p0 =	sne.s32 s30, $0xE;
	s0 =	sand.u32 $0x1FFFFFE0, s0  }
.Ltmp2:
0x9f: {  	s0 =	sadd.s32 s6, s0;
	[tilespmem:s1+$0x119F0] =	vst v0;
	(pc) =	sbr.rel @p0 .LBB2_2-.Ltmp2, $4  }
0xa0: {  	[hbm4b:s0+s3] =	stream.linear.scatter [tilespmem:s25], [sflag:$0x3], $0x700, $0x38;
	[tilespmem:$0x120C0] =	vst v63  }
0xa1: {  	_ =	swait.ge [sflag:s11], $0x700  }
0xa2: {  	[sflag:s11] =	ssyncset.done $0x0  }
0xa3: {  	s28 =	sadd.s32 $0xE00, s28;
	s29 =	sadd.s32 $0xE00, s29;
	[sflag:s11] =	ssyncadd.s32 $0xFFFFF900  }
0xa4: {  	s26 =	sadd.s32 $0x1, s26  }
0xa5: {  	p0 =	sne.s32 s26, s10  }
.Ltmp3:
0xa6: {  	_ = 	snop;
	(pc) =	sbr.rel @p0 .LBB2_1-.Ltmp3, $1  }
0xa7: {  	_ =	sdelay $0x3  }
0xa8: {  	_ =	sfence.sel $0x180000  }
0xa9: {  	[bflag:$0x0] =	sbarrier.arrive $0xFFFF  }
0xaa: {  	_ =	strace $0x90000047  }
0xab: {  	s0 =	stileid.u32;
	[bflag:$0x2] =	sbarrier.arrive $0xFFFF  }
0xac: {  	p0 =	sne.s32 s0, $0x0;
	s0 =	rddreg [dreg:$0x2]  }
0xad: {  	s0 =	sadd.s32 @!p0 $0x100000, s0  }
0xae: {  	[sflag:s0] =	ssyncadd.tile.s32 @!p0 $0x1;
	_ =	shalt  }
.Lfunc_end2:
_tile_overlayer_lowered:
.L_overlay_start_2:
0xaf: {  	(tag) =	ssettag $0x2  }
0xb0: {  	s0 =	rddreg [dreg:$0x0];
	s2 =	stileid.u32  }
0xb1: {  	s1 =	rddreg [dreg:$0x1];
	p0 =	sne.s32 s2, $0x0  }
0xb2: {  	s3 =	rddreg [dreg:$0x2];
	[bflag:$0x3] =	sbarrier.arrive $0xFFFF;
	s2 =	simm.s32 @!p0 $0x1C03  }
0xb3: {  	[timem:s3], [sflag:s2] =	dma.local @!p0 [hbm:s0], s1  }
0xb4: {  	s0 =	simm.s32 @!p0 $0x3  }
0xb5: {  	_ =	swait.ge @!p0 [sflag:s0], s1  }
0xb6: {  	s1 =	ssub.s32 @!p0 $0x0, s1;
	[sflag:s0] =	ssyncset.done @!p0 $0x0  }
0xb7: {  	[sflag:s0] =	ssyncadd.s32 @!p0 s1  }
0xb8: {  	[bflag:$0x3] =	sbarrier.arrive $0xFFFF  }
0xb9: {  	_ =	shalt  }

// kernel: kernel.9.cloned.1.call-start
scs
__scs_entry_jumppad:
0x0: {  	(pc) =	sbr.rel $0x88, $3  }
0x1: {  	(tag) =	ssettag $0x0;
	lr =	simm.s32 $0x1  }
0x2: {  	[smem:$0x3F9D] =	sst lr;
	_ =	strace $0xD0000000  }
0x3: {  	_ = 	snop  }
0x4: {  	_ = 	snop  }
0x5: {  	_ = 	snop  }
0x6: {  	_ = 	snop  }
0x7: {  	_ = 	snop  }
__scs_overlays_trampoline_lowered:
0x8: {  	[smem:$0x3FAC] =	sst s0  }
0x9: {  	[smem:$0x3FAD] =	sst s1  }
0xa: {  	[smem:$0x3FAE] =	sst s2  }
0xb: {  	[smem:$0x3FAF] =	sst s3  }
0xc: {  	[smem:$0x3FB0] =	sst s4  }
0xd: {  	[smem:$0x3FB1] =	sst s5  }
0xe: {  	[smem:$0x3FB2] =	sst s6  }
0xf: {  	[smem:$0x3FB3] =	sst s7  }
0x10: {  	[smem:$0x3FB4] =	sst s8  }
0x11: {  	[smem:$0x3FB5] =	sst s9;
	s0 =	simm.s32 @!p0 $0x0  }
0x12: {  	s1 =	sld [smem:$0x3F9B];
	s0 =	simm.s32 @p0 $0x1  }
0x13: {  	[smem:$0x3FB6] =	sst s0;
	s0 =	simm.s32 @!p1 $0x0  }
0x14: {  	s2 =	sld [smem:$0x3F9A];
	s0 =	simm.s32 @p1 $0x1  }
0x15: {  	[smem:$0x3FB7] =	sst s0;
	s0 =	simm.s32 @!p2 $0x0  }
0x16: {  	s3 =	sld [smem:$0x3FDB];
	s0 =	simm.s32 @p2 $0x1  }
0x17: {  	s4 =	simm.s32 $0x1BF5;
	[smem:$0x3FB9] =	sst s0  }
0x18: {  	s0 =	sld [smem:$0x3F9C];
	_ =	swait.ge [sflag:s4], $0x0  }
0x19: {  	s7 =	sld [smem:$0x3F9D]  }
0x1a: {  	s8 =	sadd.s32 $0xFFFFE003, lr  }
0x1b: {  	s9 =	sadd.s32 $0xFFFFFEF7, lr;
	s5 =	simm.s32 $0xFFFFFFFF;
	p2 =	slt.u32 s8, $0xFFFFF086  }
0x1c: {  	p1 =	slt.u32 s9, $0xF7A;
	s5 =	simm.s32 @!p2 $0x0  }
0x1d: {  	s5 =	simm.s32 @p1 $0x1;
	p0 =	seq.s32 s7, s2  }
0x1e: {  	s7 =	smul.u32 @!p0 $0xF7A, s2;
	p2 =	seq.s32 @!p0 s5, $0x0  }
0x1f: {  	s9 =	smul.u32 $0xF7A, s1;
	s8 =	simm.s32 @!p0 $0x1BF5;
	p2 =	por !p2, p0  }
0x20: {  	[sflag:s8] =	ssyncset.s32 @!p0 $0xFFFFF086;
	s6 =	sadd.s32 @!p0 s3, s7;
	s7 =	simm.s32 @!p0 $0x108  }
0x21: {  	s3 =	sadd.s32 s3, s9;
	s6 =	sadd.s32 @!p0 $0x88, s6;
	s7 =	simm.s32 @p2 $0x1082  }
0x22: {  	[simem:s7], [sflag:s8] =	dma.local @!p0 [hbm:s6], $0xF7A  }
0x23: {  	s9 =	sor.u32 $0xD0000000, s2;
	s6 =	simm.s32 $0x108;
	_ =	swait.ge @!p0 [sflag:s8], $0x0  }
0x24: {  	s3 =	sadd.s32 $0x88, s3;
	s6 =	simm.s32 @!p1 $0x1082;
	[sflag:s4] =	ssyncset.s32 $0xFFFFF086  }
0x25: {  	[simem:s6], [sflag:s4] =	dma.local [hbm:s3], $0xF7A  }
0x26: {  	[smem:$0x3F9D] =	sst s1;
	(tag) =	ssettag s2;
	_ =	strace s9  }
0x27: {  	s1 =	sld [smem:$0x3FAD]  }
0x28: {  	s2 =	sld [smem:$0x3FAE]  }
0x29: {  	s4 =	sld [smem:$0x3FB0]  }
0x2a: {  	p0 =	seq.s32 s5, $0x0;
	s5 =	sld [smem:$0x3FB1]  }
0x2b: {  	s6 =	sld [smem:$0x3FB2]  }
0x2c: {  	s7 =	sld [smem:$0x3FB3]  }
0x2d: {  	s3 =	simm.s32 $0x108;
	s8 =	sld [smem:$0x3FB4]  }
0x2e: {  	s3 =	simm.s32 @!p0 $0x1082;
	s9 =	sld [smem:$0x3FB5]  }
0x2f: {  	lr =	sadd.s32 s0, s3;
	s0 =	sld [smem:$0x3FAC]  }
0x30: {  	s3 =	sld [smem:$0x3FAF]  }
0x31: {  	[smem:$0x3FB8] =	sst s10  }
0x32: {  	s10 =	sld [smem:$0x3FB6];
	_ =	sdelay $0x3  }
0x33: {  	p0 =	seq.s32 s10, $0x1;
	s10 =	sld [smem:$0x3FB8];
	_ =	sdelay $0x3  }
0x34: {  	[smem:$0x3FB8] =	sst s10  }
0x35: {  	s10 =	sld [smem:$0x3FB7];
	_ =	sdelay $0x3  }
0x36: {  	p1 =	seq.s32 s10, $0x1;
	s10 =	sld [smem:$0x3FB8];
	_ =	sdelay $0x3  }
0x37: {  	[smem:$0x3FB8] =	sst s10  }
0x38: {  	s10 =	sld [smem:$0x3FB9]  }
0x39: {  	_ = 	snop;
	(pc) =	sbr.ind lr, $3  }
0x3a: {  	_ = 	snop  }
0x3b: {  	_ = 	snop  }
0x3c: {  	p2 =	seq.s32 s10, $0x1;
	s10 =	sld [smem:$0x3FB8]  }
0x3d: {  	_ =	shalt  }
0x3e: {  	_ =	shalt  }
0x3f: {  	_ =	shalt  }
0x40: {  	_ =	shalt  }
0x41: {  	_ =	shalt  }
0x42: {  	_ =	shalt  }
0x43: {  	_ =	shalt  }
0x44: {  	_ =	shalt  }
0x45: {  	_ =	shalt  }
0x46: {  	_ =	shalt  }
0x47: {  	_ =	shalt  }
0x48: {  	_ =	shalt  }
0x49: {  	_ =	shalt  }
0x4a: {  	_ =	shalt  }
0x4b: {  	_ =	shalt  }
0x4c: {  	_ =	shalt  }
0x4d: {  	_ =	shalt  }
0x4e: {  	_ =	shalt  }
0x4f: {  	_ =	shalt  }
0x50: {  	_ =	shalt  }
0x51: {  	_ =	shalt  }
0x52: {  	_ =	shalt  }
0x53: {  	_ =	shalt  }
0x54: {  	_ =	shalt  }
0x55: {  	_ =	shalt  }
0x56: {  	_ =	shalt  }
0x57: {  	_ =	shalt  }
0x58: {  	_ =	shalt  }
0x59: {  	_ =	shalt  }
0x5a: {  	_ =	shalt  }
0x5b: {  	_ =	shalt  }
0x5c: {  	_ =	shalt  }
0x5d: {  	_ =	shalt  }
0x5e: {  	_ =	shalt  }
0x5f: {  	_ =	shalt  }
0x60: {  	_ =	shalt  }
0x61: {  	_ =	shalt  }
0x62: {  	_ =	shalt  }
0x63: {  	_ =	shalt  }
0x64: {  	_ =	shalt  }
0x65: {  	_ =	shalt  }
0x66: {  	_ =	shalt  }
0x67: {  	_ =	shalt  }
0x68: {  	_ =	shalt  }
0x69: {  	_ =	shalt  }
0x6a: {  	_ =	shalt  }
0x6b: {  	_ =	shalt  }
0x6c: {  	_ =	shalt  }
0x6d: {  	_ =	shalt  }
0x6e: {  	_ =	shalt  }
0x6f: {  	_ =	shalt  }
0x70: {  	_ =	shalt  }
0x71: {  	_ =	shalt  }
0x72: {  	_ =	shalt  }
0x73: {  	_ =	shalt  }
0x74: {  	_ =	shalt  }
0x75: {  	_ =	shalt  }
0x76: {  	_ =	shalt  }
0x77: {  	_ =	shalt  }
0x78: {  	_ =	shalt  }
0x79: {  	_ =	shalt  }
0x7a: {  	_ =	shalt  }
0x7b: {  	_ =	shalt  }
0x7c: {  	_ =	shalt  }
0x7d: {  	_ =	shalt  }
0x7e: {  	_ =	shalt  }
0x7f: {  	_ =	shalt  }
0x80: {  	_ =	shalt  }
0x81: {  	_ =	shalt  }
0x82: {  	_ =	shalt  }
0x83: {  	_ =	shalt  }
0x84: {  	_ =	shalt  }
0x85: {  	_ =	shalt  }
0x86: {  	_ =	shalt  }
0x87: {  	_ =	shalt  }
.Lfunc_end0:
.L_simem_size_0:
called_computation.1_lowered:
.L_overlay_start_0:
0x88: {  	s2 =	sld [smem:$0x3FD9]  }
0x89: {  	s3 =	sld [smem:$0x3FFE];
	_ =	sdelay $0x1  }
0x8a: {  	s1 =	srdreg.scid  }
0x8b: {  	s0 =	sand.u32 $0x1, s1  }
0x8c: {  	s17 =	sshll.u32 s0, $0xA;
	s2 =	sadd.s32 s3, s2  }
0x8d: {  	s2 =	sadd.s32 s2, s17  }
0x8e: {  	[smem:$0x3FC4] =	sst s2  }
0x8f: {  	_ = 	snop  }
0x90: {  	s2 =	sld [smem:$0x3FD0];
	(tm) =	ssettm $0x1  }
0x91: {  	s18 =	sld [smem:$0x3FFB];
	_ =	sdelay $0x3  }
0x92: {  	_ =	strace s18  }
0x93: {  	s3 =	sld [smem:$0x3FFC];
	_ =	sdelay $0x3  }
0x94: {  	_ =	strace s3  }
0x95: {  	s3 =	sld [smem:$0x3FFD];
	_ =	sdelay $0x3  }
0x96: {  	_ =	strace s3  }
0x97: {  	_ =	strace $0x8FFFFFFF  }
0x98: {  	s19 =	sld [smem:$0x3FDB];
	_ =	sdelay $0x1  }
0x99: {  	s4 =	simm.s32 $_scs_section_size  }
0x9a: {  	s5 =	simm.s32 $_size__tile_overlayer_lowered;
	s6 =	simm.s32 $_tile_overlayer_lowered  }
0x9b: {  	s22 =	simm.s32 $0x1BFF;
	s21 =	sshll.u32 s6, $0x1;
	s3 =	sadd.s32 s4, s19  }
0x9c: {  	s7 =	simm.s32 $0x0;
	s20 =	sshll.u32 s5, $0x1;
	s5 =	sadd.s32 s21, s3  }
0x9d: {  	[timem:s7], [sflag:s22] =	dma.local [hbm:s5], s20  }
0x9e: {  	_ =	swait.ge [sflag:s22], s20  }
0x9f: {  	s4 =	ssub.s32 $0x0, s20;
	[sflag:s22] =	ssyncset.done $0x0  }
0xa0: {  	[sflag:s22] =	ssyncadd.s32 s4;
	_ =	sdelay $0x1  }
0xa1: {  	s23 =	simm.s32 $0x1B8B  }
0xa2: {  	_ =	swait.ge [sflag:s23], $0x1  }
0xa3: {  	[sflag:s23] =	ssyncset.done $0x0  }
0xa4: {  	s25 =	simm.s32 $0x1B8E;
	s24 =	sld [smem:$0x3FFE];
	[sflag:s23] =	ssyncadd.s32 $0xFFFFFFFF  }
0xa5: {  	s26 =	simm.s32 $execute0_lowered;
	[smem:$0x3FD2] =	sst s25  }
0xa6: {  	s5 =	sshll.u32 s26, $0x1;
	_ =	strace $0x80000049;
	[dreg:$0x1] =	wrdreg $0xFFFFFFFF  }
0xa7: {  	s28 =	simm.s32 $_size_execute0_lowered;
	s3 =	sadd.s32 s3, s5;
	[dreg:$0x0] =	wrdreg $0x0  }
0xa8: {  	s5 =	sshll.u32 s28, $0x1;
	[dreg:$0x2] =	wrdreg s3  }
0xa9: {  	[dreg:$0x3] =	wrdreg s5  }
0xaa: {  	[dreg:$0x4] =	wrdreg $0xC0  }
0xab: {  	_ =	task [dreg:s7], $0x5FFFF  }
0xac: {  	[dreg:$0x1] =	wrdreg $0xFFFFFFFF  }
0xad: {  	[dreg:$0x0] =	wrdreg $0x60  }
0xae: {  	[dreg:$0x2] =	wrdreg s24  }
0xaf: {  	[dreg:$0x3] =	wrdreg s2  }
0xb0: {  	[dreg:$0x4] =	wrdreg $0x9  }
0xb1: {  	_ =	task.clear_ibuf [dreg:s7], $0x5FFFF;
	_ =	strace $0x90000049  }
0xb2: {  	s29 =	simm.s32 $0x9;
	_ =	strace $0x8000004B  }
0xb3: {  	_ =	swait.ge [sflag:s29], $0x1  }
0xb4: {  	[sflag:s29] =	ssyncadd.s32 $0xFFFFFFFF  }
0xb5: {  	_ =	strace $0x9000004B  }
0xb6: {  	_ =	sfence  }
0xb7: {  	s30 =	sld [smem:$0x0];
	_ =	sdelay $0x2  }
0xb8: {  	s31 =	sshll.u32 s1, $0xD;
	s1 =	sshrl.u32 s1, $0x2  }
0xb9: {  	s3 =	sand.u32 $0x4000, s31;
	s1 =	sadd.s32 s1, s30  }
0xba: {  	s0 =	sor.u32 s3, s0;
	s1 =	sshll.u32 s1, $0x11  }
0xbb: {  	s0 =	sor.u32 s1, s0  }
0xbc: {  	s0 =	sadd.s32 $0x8F2B, s0  }
0xbd: {  	[sflag:s0] =	ssyncadd.remote.s32 $0x1  }
0xbe: {  	_ =	sfence.sel $0xFFFF  }
0xbf: {  	[dreg:$0x0] =	wrdreg $0xFFFFFFFF;
	(pc) =	sbr.abs _section_cstart, $3  }
0xc0: {  	[dreg:$0x1] =	wrdreg $0xFFFFFFFF  }
0xc1: {  	_ =	task.clear_ibuf [dreg:s7], $0x2FFFF;
	_ =	strace $0x9FFFFFFF  }
0xc2: {  	(tm) =	ssettm $0x7FFFFFFF  }
0xc3: {  	_ =	shalt  }
tec
execute0_lowered:
.L_overlay_start_1:
0x0: {  	(tag) =	ssettag $0x1  }
0x1: {  	s4 =	rddreg [dreg:$0x0];
	s1 =	srdreg.scid  }
0x2: {  	s0 =	stileid.u32;
	s6 =	rddreg [dreg:$0x1];
	s2 =	simm.s32 $0x0  }
0x3: {  	s15 =	simm.s32 $0x32C0;
	s16 =	simm.s32 $0x39C0;
	s17 =	simm.s32 $0x40C0  }
0x4: {  	s18 =	simm.s32 $0x47C0;
	s19 =	simm.s32 $0x1;
	s20 =	simm.s32 $0x2  }
0x5: {  	s21 =	simm.s32 $0x0;
	s5 =	sand.u32 $0x1, s1;
	s8 =	smul.u32 $0x3100, s0  }
0x6: {  	s3 =	sshll.u32 s0, $0x1;
	s1 =	rddreg [dreg:$0x2];
	s12 =	smul.u32 $0x1880, s0  }
0x7: {  	[smem:$0x7FF] =	sst s2;
	s9 =	sadd.s32 $0xAC00, s4;
	s10 =	smul.u32 $0x1880, s5  }
0x8: {  	s3 =	sor.u32 s5, s3;
	s26 =	ssub.s32 $0x2, s5;
	s5 =	smul.u32 $0xC40, s5  }
0x9: {  	s11 =	sadd.s32 $0x3BC00, s4;
	_ =	strace $0x8000004A;
	s7 =	smul.u32 $0x498, s3  }
0xa: {  	s3 =	sadd.s32 $0x9DC00, s4;
	s13 =	sshrl.u32 s26, $0x1;
	s14 =	sadd.s32 s8, s11  }
0xb: {  	s29 =	sadd.s32 s8, s9;
	s8 =	sadd.s32 s8, s6;
	s13 =	ssub.s32 s26, s13  }
0xc: {  	s28 =	sadd.s32 s10, s14;
	s5 =	sadd.s32 s5, s12;
	s30 =	sadd.s32 s10, s8  }
0xd: {  	s12 =	simm.s32 $0xC40;
	s14 =	simm.s32 $0x1880;
	[dreg:$0x3] =	wrdreg s28  }
0xe: {  	s7 =	sadd.s32 s7, s4;
	s5 =	sshll.u32 s5, $0x1;
	[dreg:$0x5] =	wrdreg s30  }
0xf: {  	s4 =	sadd.s32 $0x1800, s7;
	s7 =	sadd.s32 s10, s29;
	s31 =	sadd.s32 $0xE0, s5  }
0x10: {  	s5 =	smax.u32 s13, $0x1;
	s10 =	simm.s32 $0x70;
	s13 =	simm.s32 $0x2BC0  }
0x11: {  	[dreg:$0x4] =	wrdreg s7;
	s6 =	sadd.s32 s31, s6;
	s7 =	sadd.s32 s31, s9  }
0x12: {  	s8 =	sadd.s32 s31, s11;
	s9 =	simm.s32 $0x3;
	s11 =	simm.s32 $0x24C0  }
.LBB2_1:
0x13: {  	[tilespmem:s2], [sflag:$0x3] =	stream.linear.gather [hbm4b:s4+s2], $0x24C0, $0x38;
	[tilespmem:$0x4EC0] =	vst v63  }
0x14: {  	_ =	swait.ge [sflag:s9], $0x24C0  }
0x15: {  	[sflag:s9] =	ssyncset.done $0x0  }
0x16: {  	[sflag:s9] =	ssyncadd.s32 $0xFFFFDB40  }
0x17: {  	[tilespmem:s11], [sflag:$0x1] =	stream.indirect.gather [hbm4b:s3+s10], $0x10, s2, s10, $0xb8;
	[tilespmem:$0x4EC0] =	vst v63  }
0x18: {  	_ = 	snop  }
0x19: {  	[tilespmem:s13], [sflag:$0x1] =	stream.indirect.gather [hbm4b:s3+s10], $0x10, s12, s10, $0xb8;
	[tilespmem:$0x4EC0] =	vst v63  }
0x1a: {  	_ = 	snop  }
0x1b: {  	[tilespmem:s15], [sflag:$0x1] =	stream.indirect.gather [hbm4b:s3+s10], $0x10, s14, s10, $0xb8;
	[tilespmem:$0x4EC0] =	vst v63  }
0x1c: {  	s22 =	simm.s32 $0x70  }
0x1d: {  	[tilespmem:s16], [sflag:$0x2] =	stream.indirect.gather [hbm4b:s3+s10], $0x10, s22, s10, $0xb8;
	[tilespmem:$0x4EC0] =	vst v63  }
0x1e: {  	s23 =	simm.s32 $0xCB0  }
0x1f: {  	[tilespmem:s17], [sflag:$0x2] =	stream.indirect.gather [hbm4b:s3+s10], $0x10, s23, s10, $0xb8;
	[tilespmem:$0x4EC0] =	vst v63  }
0x20: {  	s24 =	simm.s32 $0x18F0  }
0x21: {  	[tilespmem:s18], [sflag:$0x2] =	stream.indirect.gather [hbm4b:s3+s10], $0x10, s24, s10, $0xb8;
	[tilespmem:$0x4EC0] =	vst v63  }
0x22: {  	_ =	swait.ge [sflag:s19], $0x700  }
0x23: {  	s25 =	rddreg [dreg:$0x5];
	[sflag:s19] =	ssyncset.done $0x0  }
0x24: {  	[sflag:s19] =	ssyncadd.s32 $0xFFFFF900;
	s22 =	sadd.s32 $0x0, s25  }
0x25: {  	[hbm4b:s22+s2] =	stream.linear.scatter [tilespmem:s11], [sflag:$0x3], $0x700, $0x38;
	[tilespmem:$0x4EC0] =	vst v63  }
0x26: {  	_ =	swait.ge [sflag:s9], $0x700  }
0x27: {  	[sflag:s9] =	ssyncset.done $0x0  }
0x28: {  	[sflag:s9] =	ssyncadd.s32 $0xFFFFF900  }
0x29: {  	_ =	swait.ge [sflag:s19], $0x700  }
0x2a: {  	s26 =	rddreg [dreg:$0x4];
	[sflag:s19] =	ssyncset.done $0x0  }
0x2b: {  	[sflag:s19] =	ssyncadd.s32 $0xFFFFF900;
	s22 =	sadd.s32 $0x0, s26  }
0x2c: {  	[hbm4b:s22+s2] =	stream.linear.scatter [tilespmem:s13], [sflag:$0x3], $0x700, $0x38;
	[tilespmem:$0x4EC0] =	vst v63  }
0x2d: {  	_ =	swait.ge [sflag:s9], $0x700  }
0x2e: {  	[sflag:s9] =	ssyncset.done $0x0  }
0x2f: {  	[sflag:s9] =	ssyncadd.s32 $0xFFFFF900  }
0x30: {  	_ =	swait.ge [sflag:s19], $0x700  }
0x31: {  	s28 =	rddreg [dreg:$0x3];
	[sflag:s19] =	ssyncset.done $0x0  }
0x32: {  	[sflag:s19] =	ssyncadd.s32 $0xFFFFF900;
	s22 =	sadd.s32 $0x0, s28  }
0x33: {  	[hbm4b:s22+s2] =	stream.linear.scatter [tilespmem:s15], [sflag:$0x3], $0x700, $0x38;
	[tilespmem:$0x4EC0] =	vst v63  }
0x34: {  	p0 =	por $0x0, $0x0;
	_ =	swait.ge [sflag:s9], $0x700  }
0x35: {  	s23 =	simm.s32 @!p0 $0x70;
	[sflag:s9] =	ssyncset.done $0x0  }
0x36: {  	s24 =	simm.s32 @!p0 $0x24C0;
	s22 =	simm.s32 @!p0 $0xE0;
	[sflag:s9] =	ssyncadd.s32 $0xFFFFF900  }
0x37: {  	[tilespmem:s24], [sflag:$0x1] =	stream.indirect.gather @!p0 [hbm4b:s3+s23], $0x10, s22, s23, $0xb8;
	[tilespmem:$0x4EC0] =	vst v63  }
0x38: {  	s22 =	simm.s32 @!p0 $0xD20;
	s24 =	simm.s32 @!p0 $0x2BC0  }
0x39: {  	[tilespmem:s24], [sflag:$0x1] =	stream.indirect.gather @!p0 [hbm4b:s3+s23], $0x10, s22, s23, $0xb8;
	[tilespmem:$0x4EC0] =	vst v63  }
0x3a: {  	s22 =	simm.s32 $0x1960;
	s24 =	simm.s32 @!p0 $0x32C0  }
0x3b: {  	[tilespmem:s24], [sflag:$0x1] =	stream.indirect.gather @!p0 [hbm4b:s3+s23], $0x10, s22, s23, $0xb8;
	[tilespmem:$0x4EC0] =	vst v63  }
0x3c: {  	_ =	swait.ge [sflag:s20], $0x700  }
0x3d: {  	[sflag:s20] =	ssyncset.done $0x0  }
0x3e: {  	s29 =	sadd.s32 $0x0, s6;
	[sflag:s20] =	ssyncadd.s32 $0xFFFFF900  }
0x3f: {  	[hbm4b:s29+s2] =	stream.linear.scatter [tilespmem:s16], [sflag:$0x3], $0x700, $0x38;
	[tilespmem:$0x4EC0] =	vst v63  }
0x40: {  	_ =	swait.ge [sflag:s9], $0x700  }
0x41: {  	[sflag:s9] =	ssyncset.done $0x0  }
0x42: {  	[sflag:s9] =	ssyncadd.s32 $0xFFFFF900  }
0x43: {  	_ =	swait.ge [sflag:s20], $0x700  }
0x44: {  	[sflag:s20] =	ssyncset.done $0x0  }
0x45: {  	s30 =	sadd.s32 $0x0, s7;
	[sflag:s20] =	ssyncadd.s32 $0xFFFFF900  }
0x46: {  	[hbm4b:s30+s2] =	stream.linear.scatter [tilespmem:s17], [sflag:$0x3], $0x700, $0x38;
	[tilespmem:$0x4EC0] =	vst v63  }
0x47: {  	_ =	swait.ge [sflag:s9], $0x700  }
0x48: {  	[sflag:s9] =	ssyncset.done $0x0  }
0x49: {  	[sflag:s9] =	ssyncadd.s32 $0xFFFFF900  }
0x4a: {  	_ =	swait.ge [sflag:s20], $0x700  }
0x4b: {  	[sflag:s20] =	ssyncset.done $0x0  }
0x4c: {  	s31 =	sadd.s32 $0x0, s8;
	s22 =	simm.s32 $0x1C0;
	[sflag:s20] =	ssyncadd.s32 $0xFFFFF900  }
0x4d: {  	[hbm4b:s31+s2] =	stream.linear.scatter [tilespmem:s18], [sflag:$0x3], $0x700, $0x38;
	[tilespmem:$0x4EC0] =	vst v63  }
0x4e: {  	s24 =	simm.s32 $0x380;
	s23 =	simm.s32 $0x1A40;
	_ =	swait.ge [sflag:s9], $0x700  }
.LBB2_2:
0x4f: {  	[sflag:s9] =	ssyncset.done $0x0  }
0x50: {  	s26 =	sadd.s32 $0xFFFFE710, s23;
	[sflag:s9] =	ssyncadd.s32 $0xFFFFF900  }
0x51: {  	[tilespmem:s16], [sflag:$0x2] =	stream.indirect.gather [hbm4b:s3+s10], $0x10, s26, s10, $0xb8;
	[tilespmem:$0x4EC0] =	vst v63  }
0x52: {  	s28 =	sadd.s32 $0xFFFFF350, s23  }
0x53: {  	[tilespmem:s17], [sflag:$0x2] =	stream.indirect.gather [hbm4b:s3+s10], $0x10, s28, s10, $0xb8;
	[tilespmem:$0x4EC0] =	vst v63  }
0x54: {  	s29 =	sadd.s32 $0xFFFFFF90, s23  }
0x55: {  	[tilespmem:s18], [sflag:$0x2] =	stream.indirect.gather [hbm4b:s3+s10], $0x10, s29, s10, $0xb8;
	[tilespmem:$0x4EC0] =	vst v63  }
0x56: {  	_ =	swait.ge [sflag:s19], $0x700  }
0x57: {  	s30 =	rddreg [dreg:$0x5];
	[sflag:s19] =	ssyncset.done $0x0  }
0x58: {  	[sflag:s19] =	ssyncadd.s32 $0xFFFFF900;
	s26 =	sadd.s32 s22, s30  }
0x59: {  	[hbm4b:s26+s2] =	stream.linear.scatter [tilespmem:s11], [sflag:$0x3], $0x700, $0x38;
	[tilespmem:$0x4EC0] =	vst v63  }
0x5a: {  	_ =	swait.ge [sflag:s9], $0x700  }
0x5b: {  	[sflag:s9] =	ssyncset.done $0x0  }
0x5c: {  	[sflag:s9] =	ssyncadd.s32 $0xFFFFF900  }
0x5d: {  	_ =	swait.ge [sflag:s19], $0x700  }
0x5e: {  	s31 =	rddreg [dreg:$0x4];
	[sflag:s19] =	ssyncset.done $0x0  }
0x5f: {  	[sflag:s19] =	ssyncadd.s32 $0xFFFFF900;
	s26 =	sadd.s32 s22, s31  }
0x60: {  	[hbm4b:s26+s2] =	stream.linear.scatter [tilespmem:s13], [sflag:$0x3], $0x700, $0x38;
	[tilespmem:$0x4EC0] =	vst v63  }
0x61: {  	_ =	swait.ge [sflag:s9], $0x700  }
0x62: {  	[sflag:s9] =	ssyncset.done $0x0  }
0x63: {  	[sflag:s9] =	ssyncadd.s32 $0xFFFFF900  }
0x64: {  	_ =	swait.ge [sflag:s19], $0x700  }
0x65: {  	s28 =	rddreg [dreg:$0x3];
	[sflag:s19] =	ssyncset.done $0x0  }
0x66: {  	[sflag:s19] =	ssyncadd.s32 $0xFFFFF900;
	s26 =	sadd.s32 s22, s28  }
0x67: {  	[hbm4b:s26+s2] =	stream.linear.scatter [tilespmem:s15], [sflag:$0x3], $0x700, $0x38;
	[tilespmem:$0x4EC0] =	vst v63  }
0x68: {  	p1 =	seq.s32 s22, $0x16C0;
	_ =	swait.ge [sflag:s9], $0x700  }
0x69: {  	s29 =	simm.s32 @!p1 $0x24C0;
	[sflag:s9] =	ssyncset.done $0x0  }
0x6a: {  	s28 =	simm.s32 @!p1 $0x70;
	s26 =	sadd.s32 @!p1 $0xFFFFE780, s23;
	[sflag:s9] =	ssyncadd.s32 $0xFFFFF900  }
0x6b: {  	[tilespmem:s29], [sflag:$0x1] =	stream.indirect.gather @!p1 [hbm4b:s3+s28], $0x10, s26, s28, $0xb8;
	[tilespmem:$0x4EC0] =	vst v63  }
0x6c: {  	s30 =	sadd.s32 @!p1 $0xFFFFF3C0, s23;
	s26 =	simm.s32 @!p1 $0x2BC0  }
0x6d: {  	[tilespmem:s26], [sflag:$0x1] =	stream.indirect.gather @!p1 [hbm4b:s3+s28], $0x10, s30, s28, $0xb8;
	[tilespmem:$0x4EC0] =	vst v63  }
0x6e: {  	s29 =	simm.s32 @!p1 $0x32C0  }
0x6f: {  	[tilespmem:s29], [sflag:$0x1] =	stream.indirect.gather @!p1 [hbm4b:s3+s28], $0x10, s23, s28, $0xb8;
	[tilespmem:$0x4EC0] =	vst v63  }
0x70: {  	_ =	swait.ge [sflag:s20], $0x700  }
0x71: {  	[sflag:s20] =	ssyncset.done $0x0  }
0x72: {  	s29 =	sadd.s32 s22, s6;
	[sflag:s20] =	ssyncadd.s32 $0xFFFFF900  }
0x73: {  	[hbm4b:s29+s2] =	stream.linear.scatter [tilespmem:s16], [sflag:$0x3], $0x700, $0x38;
	[tilespmem:$0x4EC0] =	vst v63  }
0x74: {  	_ =	swait.ge [sflag:s9], $0x700  }
0x75: {  	[sflag:s9] =	ssyncset.done $0x0  }
0x76: {  	[sflag:s9] =	ssyncadd.s32 $0xFFFFF900  }
0x77: {  	_ =	swait.ge [sflag:s20], $0x700  }
0x78: {  	[sflag:s20] =	ssyncset.done $0x0  }
0x79: {  	s30 =	sadd.s32 s22, s7;
	[sflag:s20] =	ssyncadd.s32 $0xFFFFF900  }
0x7a: {  	[hbm4b:s30+s2] =	stream.linear.scatter [tilespmem:s17], [sflag:$0x3], $0x700, $0x38;
	[tilespmem:$0x4EC0] =	vst v63  }
0x7b: {  	_ =	swait.ge [sflag:s9], $0x700  }
0x7c: {  	s25 =	smov.u32 s24;
	s24 =	sadd.s32 $0x1C0, s24;
	[sflag:s9] =	ssyncset.done $0x0  }
0x7d: {  	p0 =	sne.s32 s24, $0x1880;
	[sflag:s9] =	ssyncadd.s32 $0xFFFFF900  }
.Ltmp0:
0x7e: {  	_ =	swait.ge [sflag:s20], $0x700;
	(pc) =	sbr.rel @p0 .LBB2_2-.Ltmp0, $4  }
0x7f: {  	[sflag:s20] =	ssyncset.done $0x0  }
0x80: {  	s31 =	sadd.s32 s22, s8;
	[sflag:s20] =	ssyncadd.s32 $0xFFFFF900  }
0x81: {  	[hbm4b:s31+s2] =	stream.linear.scatter [tilespmem:s18], [sflag:$0x3], $0x700, $0x38;
	[tilespmem:$0x4EC0] =	vst v63  }
0x82: {  	s22 =	smov.u32 s25;
	s23 =	sadd.s32 $0xE0, s23;
	_ =	swait.ge [sflag:s9], $0x700  }
0x83: {  	[sflag:s9] =	ssyncset.done $0x0  }
0x84: {  	s24 =	sadd.s32 $0xFFFFE710, s23;
	[sflag:s9] =	ssyncadd.s32 $0xFFFFF900  }
0x85: {  	[tilespmem:s16], [sflag:$0x2] =	stream.indirect.gather [hbm4b:s3+s10], $0x10, s24, s10, $0xb8;
	[tilespmem:$0x4EC0] =	vst v63  }
0x86: {  	s30 =	sadd.s32 $0xFFFFF350, s23  }
0x87: {  	[tilespmem:s17], [sflag:$0x2] =	stream.indirect.gather [hbm4b:s3+s10], $0x10, s30, s10, $0xb8;
	[tilespmem:$0x4EC0] =	vst v63  }
0x88: {  	s31 =	sadd.s32 $0xFFFFFF90, s23  }
0x89: {  	[tilespmem:s18], [sflag:$0x2] =	stream.indirect.gather [hbm4b:s3+s10], $0x10, s31, s10, $0xb8;
	[tilespmem:$0x4EC0] =	vst v63  }
0x8a: {  	_ =	swait.ge [sflag:s19], $0x700  }
0x8b: {  	s25 =	rddreg [dreg:$0x5];
	[sflag:s19] =	ssyncset.done $0x0  }
0x8c: {  	[sflag:s19] =	ssyncadd.s32 $0xFFFFF900;
	s24 =	sadd.s32 s22, s25  }
0x8d: {  	[hbm4b:s24+s2] =	stream.linear.scatter [tilespmem:s11], [sflag:$0x3], $0x700, $0x38;
	[tilespmem:$0x4EC0] =	vst v63  }
0x8e: {  	_ =	swait.ge [sflag:s9], $0x700  }
0x8f: {  	[sflag:s9] =	ssyncset.done $0x0  }
0x90: {  	[sflag:s9] =	ssyncadd.s32 $0xFFFFF900  }
0x91: {  	_ =	swait.ge [sflag:s19], $0x700  }
0x92: {  	s26 =	rddreg [dreg:$0x4];
	[sflag:s19] =	ssyncset.done $0x0  }
0x93: {  	[sflag:s19] =	ssyncadd.s32 $0xFFFFF900;
	s24 =	sadd.s32 s22, s26  }
0x94: {  	[hbm4b:s24+s2] =	stream.linear.scatter [tilespmem:s13], [sflag:$0x3], $0x700, $0x38;
	[tilespmem:$0x4EC0] =	vst v63  }
0x95: {  	_ =	swait.ge [sflag:s9], $0x700  }
0x96: {  	[sflag:s9] =	ssyncset.done $0x0  }
0x97: {  	[sflag:s9] =	ssyncadd.s32 $0xFFFFF900  }
0x98: {  	_ =	swait.ge [sflag:s19], $0x700  }
0x99: {  	s28 =	rddreg [dreg:$0x3];
	[sflag:s19] =	ssyncset.done $0x0  }
0x9a: {  	[sflag:s19] =	ssyncadd.s32 $0xFFFFF900;
	s24 =	sadd.s32 s22, s28  }
0x9b: {  	[hbm4b:s24+s2] =	stream.linear.scatter [tilespmem:s15], [sflag:$0x3], $0x700, $0x38;
	[tilespmem:$0x4EC0] =	vst v63  }
0x9c: {  	p0 =	seq.s32 s22, $0x16C0;
	_ =	swait.ge [sflag:s9], $0x700  }
0x9d: {  	s25 =	simm.s32 @!p0 $0x70;
	[sflag:s9] =	ssyncset.done $0x0  }
0x9e: {  	s26 =	simm.s32 @!p0 $0x24C0;
	s24 =	sadd.s32 @!p0 $0xFFFFE780, s23;
	[sflag:s9] =	ssyncadd.s32 $0xFFFFF900  }
0x9f: {  	[tilespmem:s26], [sflag:$0x1] =	stream.indirect.gather @!p0 [hbm4b:s3+s25], $0x10, s24, s25, $0xb8;
	[tilespmem:$0x4EC0] =	vst v63  }
0xa0: {  	s24 =	sadd.s32 @!p0 $0xFFFFF3C0, s23;
	s26 =	simm.s32 @!p0 $0x2BC0  }
0xa1: {  	[tilespmem:s26], [sflag:$0x1] =	stream.indirect.gather @!p0 [hbm4b:s3+s25], $0x10, s24, s25, $0xb8;
	[tilespmem:$0x4EC0] =	vst v63  }
0xa2: {  	s24 =	simm.s32 @!p0 $0x32C0  }
0xa3: {  	[tilespmem:s24], [sflag:$0x1] =	stream.indirect.gather @!p0 [hbm4b:s3+s25], $0x10, s23, s25, $0xb8;
	[tilespmem:$0x4EC0] =	vst v63  }
0xa4: {  	_ =	swait.ge [sflag:s20], $0x700  }
0xa5: {  	[sflag:s20] =	ssyncset.done $0x0  }
0xa6: {  	s29 =	sadd.s32 s22, s6;
	[sflag:s20] =	ssyncadd.s32 $0xFFFFF900  }
0xa7: {  	[hbm4b:s29+s2] =	stream.linear.scatter [tilespmem:s16], [sflag:$0x3], $0x700, $0x38;
	[tilespmem:$0x4EC0] =	vst v63  }
0xa8: {  	_ =	swait.ge [sflag:s9], $0x700  }
0xa9: {  	[sflag:s9] =	ssyncset.done $0x0  }
0xaa: {  	[sflag:s9] =	ssyncadd.s32 $0xFFFFF900  }
0xab: {  	_ =	swait.ge [sflag:s20], $0x700  }
0xac: {  	[sflag:s20] =	ssyncset.done $0x0  }
0xad: {  	s30 =	sadd.s32 s22, s7;
	[sflag:s20] =	ssyncadd.s32 $0xFFFFF900  }
0xae: {  	[hbm4b:s30+s2] =	stream.linear.scatter [tilespmem:s17], [sflag:$0x3], $0x700, $0x38;
	[tilespmem:$0x4EC0] =	vst v63  }
0xaf: {  	_ =	swait.ge [sflag:s9], $0x700  }
0xb0: {  	[sflag:s9] =	ssyncset.done $0x0  }
0xb1: {  	[sflag:s9] =	ssyncadd.s32 $0xFFFFF900  }
0xb2: {  	s21 =	sadd.s32 $0x1, s21;
	_ =	swait.ge [sflag:s20], $0x700  }
0xb3: {  	p0 =	sne.s32 s21, s5;
	[sflag:s20] =	ssyncset.done $0x0  }
.Ltmp1:
0xb4: {  	s31 =	sadd.s32 s22, s8;
	[sflag:s20] =	ssyncadd.s32 $0xFFFFF900;
	(pc) =	sbr.rel @p0 .LBB2_1-.Ltmp1, $4  }
0xb5: {  	[hbm4b:s31+s2] =	stream.linear.scatter [tilespmem:s18], [sflag:$0x3], $0x700, $0x38;
	[tilespmem:$0x4EC0] =	vst v63  }
0xb6: {  	_ =	swait.ge [sflag:s9], $0x700  }
0xb7: {  	[sflag:s9] =	ssyncset.done $0x0  }
0xb8: {  	[sflag:s9] =	ssyncadd.s32 $0xFFFFF900  }
0xb9: {  	_ =	sfence.sel $0x180000  }
0xba: {  	[bflag:$0x0] =	sbarrier.arrive $0xFFFF  }
0xbb: {  	p0 =	sne.s32 s0, $0x0;
	_ =	strace $0x9000004A  }
0xbc: {  	s0 =	sadd.s32 @!p0 $0x100000, s1;
	[bflag:$0x2] =	sbarrier.arrive $0xFFFF  }
0xbd: {  	[sflag:s0] =	ssyncadd.tile.s32 @!p0 $0x1;
	_ =	shalt  }
.Lfunc_end2:
_tile_overlayer_lowered:
.L_overlay_start_2:
0xbe: {  	(tag) =	ssettag $0x2  }
0xbf: {  	s0 =	rddreg [dreg:$0x0];
	s2 =	stileid.u32  }
0xc0: {  	s1 =	rddreg [dreg:$0x1];
	p0 =	sne.s32 s2, $0x0  }
0xc1: {  	s3 =	rddreg [dreg:$0x2];
	[bflag:$0x3] =	sbarrier.arrive $0xFFFF;
	s2 =	simm.s32 @!p0 $0x1C03  }
0xc2: {  	[timem:s3], [sflag:s2] =	dma.local @!p0 [hbm:s0], s1  }
0xc3: {  	s0 =	simm.s32 @!p0 $0x3  }
0xc4: {  	_ =	swait.ge @!p0 [sflag:s0], s1  }
0xc5: {  	s1 =	ssub.s32 @!p0 $0x0, s1;
	[sflag:s0] =	ssyncset.done @!p0 $0x0  }
0xc6: {  	[sflag:s0] =	ssyncadd.s32 @!p0 s1  }
0xc7: {  	[bflag:$0x3] =	sbarrier.arrive $0xFFFF  }
0xc8: {  	_ =	shalt  }

</sc_bundles>
